<compile_context>
chip_gen: v7x
topology: tpu7x:2x2x1
jax: 0.10.2.dev20260603
libtpu: 0.0.44.dev20260713+nightly
codegen_flags: <defaults>
</compile_context>

<pallas_src>
import jax
import jax.numpy as jnp
from jax import lax
from jax.experimental import pallas as pl
from jax.experimental.pallas import tpu as pltpu
from jax.experimental.pallas import tpu_sc as plsc

NUM_NODES = 1000000
EMBED = 16
BATCH = 16384
WALK_LEN = 50

NC = 2
NS = 16
NW = NC * NS
BPW = BATCH // NW
CB = 64
NCHUNK = BPW // CB
ROWS = CB * WALK_LEN
GATHER_W = 128
NGATHER = ROWS // GATHER_W
NODE_G = BPW // GATHER_W
WIDX_ROWS = BPW * WALK_LEN // GATHER_W


def _sc_body(table, nodes3d, walks3d, out_emb, partials,
             nidx, nrows, widx, wrows, pacc, sem):
    wid = lax.axis_index("s") * NC + lax.axis_index("c")
    base = wid * BPW

    pltpu.sync_copy(nodes3d.at[wid], nidx)
    pltpu.sync_copy(walks3d.at[wid], widx)

    nh = [pltpu.async_copy(table.at[nidx.at[j]],
                           nrows.at[pl.ds(j * GATHER_W, GATHER_W)], sem)
          for j in range(NODE_G)]
    for h in nh:
        h.wait()
    pltpu.sync_copy(nrows, out_emb.at[pl.ds(base, BPW)])

    def chunk_body(c, acc):
        hs = [pltpu.async_copy(table.at[widx.at[c * NGATHER + j]],
                               wrows.at[pl.ds(j * GATHER_W, GATHER_W)], sem)
              for j in range(NGATHER)]
        for h in hs:
            h.wait()

        def b_body(b, acc):
            m0 = b * WALK_LEN
            wsum = wrows[m0, :]
            for l in range(1, WALK_LEN):
                wsum = wsum + wrows[m0 + l, :]
            return acc + nrows[c * CB + b, :] * wsum

        return lax.fori_loop(0, CB, b_body, acc)

    acc = lax.fori_loop(0, NCHUNK, chunk_body,
                        jnp.zeros((EMBED,), jnp.float32))
    pacc[0, :] = acc
    pltpu.sync_copy(pacc, partials.at[wid])


@jax.jit
def _sc_call(table, nodes3d, walks3d):
    mesh = plsc.VectorSubcoreMesh(core_axis_name="c", subcore_axis_name="s",
                                  num_cores=NC, num_subcores=NS)
    return pl.kernel(
        _sc_body,
        out_type=(
            jax.ShapeDtypeStruct((BATCH, EMBED), jnp.float32),
            jax.ShapeDtypeStruct((NW, 1, EMBED), jnp.float32),
        ),
        mesh=mesh,
        compiler_params=pltpu.CompilerParams(use_tc_tiling_on_sc=False),
        scratch_types=(
            pltpu.VMEM((NODE_G, GATHER_W), jnp.int32),
            pltpu.VMEM((BPW, EMBED), jnp.float32),
            pltpu.VMEM((WIDX_ROWS, GATHER_W), jnp.int32),
            pltpu.VMEM((ROWS, EMBED), jnp.float32),
            pltpu.VMEM((1, EMBED), jnp.float32),
            pltpu.SemaphoreType.DMA,
        ),
    )(table, nodes3d, walks3d)


def kernel(nodes, walks, table):
    nodes3d = nodes.astype(jnp.int32).reshape(NW, NODE_G, GATHER_W)
    walks3d = walks.astype(jnp.int32).reshape(NW, WIDX_ROWS, GATHER_W)
    out_emb, partials = _sc_call(table, nodes3d, walks3d)
    return (out_emb, jnp.sum(partials))

# --- scband reference (transcript-rebuilt; emitter-appended) ---
"""Pipeline reference for scband-embedding-model-8383776162444 (READ-ONLY COPY).

The authoritative reference and input builder live on the scoring server;
editing this copy changes nothing except your own understanding.
"""

import jax, jax.numpy as jnp
import numpy as np

NUM_NODES = 1000000
EMBED = 16
BATCH = 16384
WALK_LEN = 50

def setup_inputs(seed: int = 0) -> dict:
    key = jax.random.key(seed)
    k1, k2, k3 = jax.random.split(key, 3)
    nodes = jax.random.randint(k1, (BATCH,), 0, NUM_NODES)
    walks = jax.random.randint(k2, (BATCH, WALK_LEN), 0, NUM_NODES)
    # learned parameter: node embedding table, initialized uniform [0, 1) as in the TF code
    table = jax.random.uniform(k3, (NUM_NODES, EMBED), dtype=jnp.float32, minval=0.0, maxval=1.0)
    return {"nodes": nodes, "walks": walks, "table": table}

def reference(nodes, walks, table):
    # embedding lookups
    node_embeddings = jnp.take(table, nodes, axis=0)          # [B, d]
    walk_embeddings = jnp.take(table, walks, axis=0)          # [B, L, d]
    # node_expanded: [B, d, 1]
    node_expanded = node_embeddings[:, :, None]
    # transpose walk embeddings to [B, d, L] and multiply
    walk_multiply = node_expanded * jnp.transpose(walk_embeddings, (0, 2, 1))  # [B, d, L]
    neigh_sum = jnp.sum(walk_multiply, axis=(1, 2))           # [B]
    loss = jnp.sum(neigh_sum)                                 # scalar
    return (node_embeddings, loss)

if __name__ == "__main__":
    import jax
    _d = setup_inputs()
    print(jax.jit(kernel)(*tuple(_d.values())))

</pallas_src>

<mosaic_0001>
#map = affine_map<(d0, d1) -> (0, 0)>
#map1 = affine_map<(d0, d1) -> (0, 0, 0)>
module attributes {stable_mosaic.version = 14 : i64} {
  func.func @_sc_body(%arg0: i32, %arg1: i32, %arg2: memref<1000000x16xf32, #tpu.memory_space<hbm>>, %arg3: memref<32x4x128xi32, #tpu.memory_space<hbm>>, %arg4: memref<32x200x128xi32, #tpu.memory_space<hbm>>, %arg5: memref<16384x16xf32, #tpu.memory_space<hbm>>, %arg6: memref<32x1x16xf32, #tpu.memory_space<hbm>>, %arg7: memref<4x128xi32, #tpu.memory_space<vmem>>, %arg8: memref<512x16xf32, #tpu.memory_space<vmem>>, %arg9: memref<200x128xi32, #tpu.memory_space<vmem>>, %arg10: memref<3200x16xf32, #tpu.memory_space<vmem>>, %arg11: memref<1x16xf32, #tpu.memory_space<vmem>>, %arg12: memref<!tpu.dma_semaphore, #tpu.memory_space<semaphore_mem>>) attributes {dimension_semantics = [#tpu.dimension_semantics<core_parallel>, #tpu.dimension_semantics<subcore_parallel>], iteration_bounds = array<i64: 2, 16>, scalar_prefetch = 0 : i64, scratch_operands = 6 : i64, tpu.core_type = #tpu.core_type<sc_vector_subcore>, window_params = [{transform_indices = #map}, {transform_indices = #map1}, {transform_indices = #map1}, {transform_indices = #map}, {transform_indices = #map1}]} {
    %mul3A = arith.constant 2 : i32
    %mul3A_0 = arith.muli %arg1, %mul3A : i32
    %add3A = arith.addi %mul3A_0, %arg0 : i32
    %mul3A_1 = arith.constant 512 : i32
    %mul3A_2 = arith.muli %add3A, %mul3A_1 : i32
    "tpu.region"() ({
      %run_scoped3A = tpu.sem_alloc : memref<!tpu.dma_semaphore, #tpu.memory_space<semaphore_mem>>
      %dma_start3A_92 = arith.constant 0 : i32
      %dma_start3A_93 = arith.constant 0 : i32
      %dma_start3A_94 = tpu.memref_slice %arg3[%add3A, %dma_start3A_92, %dma_start3A_93] : memref<32x4x128xi32, #tpu.memory_space<hbm>> -> memref<1x4x128xi32, #tpu.memory_space<hbm>>
      %dma_start3A_95 = tpu.memref_squeeze %dma_start3A_94 : memref<1x4x128xi32, #tpu.memory_space<hbm>> -> memref<4x128xi32, #tpu.memory_space<hbm>>
      %dma_start3A_96 = arith.constant 0 : i32
      %dma_start3A_97 = arith.constant 0 : i32
      %dma_start3A_98 = tpu.memref_slice %arg3[%add3A, %dma_start3A_96, %dma_start3A_97] : memref<32x4x128xi32, #tpu.memory_space<hbm>> -> memref<1x4x128xi32, #tpu.memory_space<hbm>>
      %dma_start3A_99 = tpu.memref_squeeze %dma_start3A_98 : memref<1x4x128xi32, #tpu.memory_space<hbm>> -> memref<4x128xi32, #tpu.memory_space<hbm>>
      tpu.enqueue_dma source(%dma_start3A_99 : memref<4x128xi32, #tpu.memory_space<hbm>>) target(%arg7 : memref<4x128xi32, #tpu.memory_space<vmem>>) target_semaphore(%run_scoped3A : memref<!tpu.dma_semaphore, #tpu.memory_space<semaphore_mem>>)
      %dma_wait3A_100 = arith.constant 0 : i32
      %dma_wait3A_101 = arith.constant 0 : i32
      %dma_wait3A_102 = tpu.memref_slice %arg3[%add3A, %dma_wait3A_100, %dma_wait3A_101] : memref<32x4x128xi32, #tpu.memory_space<hbm>> -> memref<1x4x128xi32, #tpu.memory_space<hbm>>
      %dma_wait3A_103 = tpu.memref_squeeze %dma_wait3A_102 : memref<1x4x128xi32, #tpu.memory_space<hbm>> -> memref<4x128xi32, #tpu.memory_space<hbm>>
      %dma_wait3A_104 = arith.constant 0 : i32
      %dma_wait3A_105 = arith.constant 0 : i32
      %dma_wait3A_106 = tpu.memref_slice %arg3[%add3A, %dma_wait3A_104, %dma_wait3A_105] : memref<32x4x128xi32, #tpu.memory_space<hbm>> -> memref<1x4x128xi32, #tpu.memory_space<hbm>>
      %dma_wait3A_107 = tpu.memref_squeeze %dma_wait3A_106 : memref<1x4x128xi32, #tpu.memory_space<hbm>> -> memref<4x128xi32, #tpu.memory_space<hbm>>
      tpu.wait_dma2 semaphore(%run_scoped3A : memref<!tpu.dma_semaphore, #tpu.memory_space<semaphore_mem>>) src(%dma_wait3A_107 : memref<4x128xi32, #tpu.memory_space<hbm>>) dst(%arg7 : memref<4x128xi32, #tpu.memory_space<vmem>>)
      tpu.yield
    }) : () -> ()
    "tpu.region"() ({
      %run_scoped3A = tpu.sem_alloc : memref<!tpu.dma_semaphore, #tpu.memory_space<semaphore_mem>>
      %dma_start3A_92 = arith.constant 0 : i32
      %dma_start3A_93 = arith.constant 0 : i32
      %dma_start3A_94 = tpu.memref_slice %arg4[%add3A, %dma_start3A_92, %dma_start3A_93] : memref<32x200x128xi32, #tpu.memory_space<hbm>> -> memref<1x200x128xi32, #tpu.memory_space<hbm>>
      %dma_start3A_95 = tpu.memref_squeeze %dma_start3A_94 : memref<1x200x128xi32, #tpu.memory_space<hbm>> -> memref<200x128xi32, #tpu.memory_space<hbm>>
      %dma_start3A_96 = arith.constant 0 : i32
      %dma_start3A_97 = arith.constant 0 : i32
      %dma_start3A_98 = tpu.memref_slice %arg4[%add3A, %dma_start3A_96, %dma_start3A_97] : memref<32x200x128xi32, #tpu.memory_space<hbm>> -> memref<1x200x128xi32, #tpu.memory_space<hbm>>
      %dma_start3A_99 = tpu.memref_squeeze %dma_start3A_98 : memref<1x200x128xi32, #tpu.memory_space<hbm>> -> memref<200x128xi32, #tpu.memory_space<hbm>>
      tpu.enqueue_dma source(%dma_start3A_99 : memref<200x128xi32, #tpu.memory_space<hbm>>) target(%arg9 : memref<200x128xi32, #tpu.memory_space<vmem>>) target_semaphore(%run_scoped3A : memref<!tpu.dma_semaphore, #tpu.memory_space<semaphore_mem>>)
      %dma_wait3A_100 = arith.constant 0 : i32
      %dma_wait3A_101 = arith.constant 0 : i32
      %dma_wait3A_102 = tpu.memref_slice %arg4[%add3A, %dma_wait3A_100, %dma_wait3A_101] : memref<32x200x128xi32, #tpu.memory_space<hbm>> -> memref<1x200x128xi32, #tpu.memory_space<hbm>>
      %dma_wait3A_103 = tpu.memref_squeeze %dma_wait3A_102 : memref<1x200x128xi32, #tpu.memory_space<hbm>> -> memref<200x128xi32, #tpu.memory_space<hbm>>
      %dma_wait3A_104 = arith.constant 0 : i32
      %dma_wait3A_105 = arith.constant 0 : i32
      %dma_wait3A_106 = tpu.memref_slice %arg4[%add3A, %dma_wait3A_104, %dma_wait3A_105] : memref<32x200x128xi32, #tpu.memory_space<hbm>> -> memref<1x200x128xi32, #tpu.memory_space<hbm>>
      %dma_wait3A_107 = tpu.memref_squeeze %dma_wait3A_106 : memref<1x200x128xi32, #tpu.memory_space<hbm>> -> memref<200x128xi32, #tpu.memory_space<hbm>>
      tpu.wait_dma2 semaphore(%run_scoped3A : memref<!tpu.dma_semaphore, #tpu.memory_space<semaphore_mem>>) src(%dma_wait3A_107 : memref<200x128xi32, #tpu.memory_space<hbm>>) dst(%arg9 : memref<200x128xi32, #tpu.memory_space<vmem>>)
      tpu.yield
    }) : () -> ()
    %dma_start3A = arith.constant 0 : i32
    %dma_start3A_3 = arith.constant 0 : i32
    %dma_start3A_4 = arith.constant 0 : i32
    %dma_start3A_5 = tpu.memref_slice %arg8[%dma_start3A_3, %dma_start3A_4] : memref<512x16xf32, #tpu.memory_space<vmem>> -> memref<128x16xf32, #tpu.memory_space<vmem>>
    %dma_start3A_6 = arith.constant 0 : i32
    %dma_start3A_7 = tpu.memref_slice %arg7[%dma_start3A, %dma_start3A_6] : memref<4x128xi32, #tpu.memory_space<vmem>> -> memref<1x128xi32, #tpu.memory_space<vmem>>
    %dma_start3A_8 = tpu.memref_squeeze %dma_start3A_7 : memref<1x128xi32, #tpu.memory_space<vmem>> -> memref<128xi32, #tpu.memory_space<vmem>>
    %dma_start3A_9 = arith.constant 0 : i32
    %dma_start3A_10 = arith.constant 0 : i32
    %dma_start3A_11 = tpu.memref_slice %arg2[%dma_start3A_9, %dma_start3A_10] : memref<1000000x16xf32, #tpu.memory_space<hbm>> -> memref<1000000x16xf32, #tpu.memory_space<hbm>>
    tpu.enqueue_indirect_dma source(%dma_start3A_11 : memref<1000000x16xf32, #tpu.memory_space<hbm>>) target(%dma_start3A_5 : memref<128x16xf32, #tpu.memory_space<vmem>>) offsets(%dma_start3A_8 : memref<128xi32, #tpu.memory_space<vmem>>) semaphore(%arg12 : memref<!tpu.dma_semaphore, #tpu.memory_space<semaphore_mem>>)
    %dma_start3A_12 = arith.constant 1 : i32
    %dma_start3A_13 = arith.constant 128 : i32
    %dma_start3A_14 = arith.constant 0 : i32
    %dma_start3A_15 = tpu.memref_slice %arg8[%dma_start3A_13, %dma_start3A_14] : memref<512x16xf32, #tpu.memory_space<vmem>> -> memref<128x16xf32, #tpu.memory_space<vmem>>
    %dma_start3A_16 = arith.constant 0 : i32
    %dma_start3A_17 = tpu.memref_slice %arg7[%dma_start3A_12, %dma_start3A_16] : memref<4x128xi32, #tpu.memory_space<vmem>> -> memref<1x128xi32, #tpu.memory_space<vmem>>
    %dma_start3A_18 = tpu.memref_squeeze %dma_start3A_17 : memref<1x128xi32, #tpu.memory_space<vmem>> -> memref<128xi32, #tpu.memory_space<vmem>>
    %dma_start3A_19 = arith.constant 0 : i32
    %dma_start3A_20 = arith.constant 0 : i32
    %dma_start3A_21 = tpu.memref_slice %arg2[%dma_start3A_19, %dma_start3A_20] : memref<1000000x16xf32, #tpu.memory_space<hbm>> -> memref<1000000x16xf32, #tpu.memory_space<hbm>>
    tpu.enqueue_indirect_dma source(%dma_start3A_21 : memref<1000000x16xf32, #tpu.memory_space<hbm>>) target(%dma_start3A_15 : memref<128x16xf32, #tpu.memory_space<vmem>>) offsets(%dma_start3A_18 : memref<128xi32, #tpu.memory_space<vmem>>) semaphore(%arg12 : memref<!tpu.dma_semaphore, #tpu.memory_space<semaphore_mem>>)
    %dma_start3A_22 = arith.constant 2 : i32
    %dma_start3A_23 = arith.constant 256 : i32
    %dma_start3A_24 = arith.constant 0 : i32
    %dma_start3A_25 = tpu.memref_slice %arg8[%dma_start3A_23, %dma_start3A_24] : memref<512x16xf32, #tpu.memory_space<vmem>> -> memref<128x16xf32, #tpu.memory_space<vmem>>
    %dma_start3A_26 = arith.constant 0 : i32
    %dma_start3A_27 = tpu.memref_slice %arg7[%dma_start3A_22, %dma_start3A_26] : memref<4x128xi32, #tpu.memory_space<vmem>> -> memref<1x128xi32, #tpu.memory_space<vmem>>
    %dma_start3A_28 = tpu.memref_squeeze %dma_start3A_27 : memref<1x128xi32, #tpu.memory_space<vmem>> -> memref<128xi32, #tpu.memory_space<vmem>>
    %dma_start3A_29 = arith.constant 0 : i32
    %dma_start3A_30 = arith.constant 0 : i32
    %dma_start3A_31 = tpu.memref_slice %arg2[%dma_start3A_29, %dma_start3A_30] : memref<1000000x16xf32, #tpu.memory_space<hbm>> -> memref<1000000x16xf32, #tpu.memory_space<hbm>>
    tpu.enqueue_indirect_dma source(%dma_start3A_31 : memref<1000000x16xf32, #tpu.memory_space<hbm>>) target(%dma_start3A_25 : memref<128x16xf32, #tpu.memory_space<vmem>>) offsets(%dma_start3A_28 : memref<128xi32, #tpu.memory_space<vmem>>) semaphore(%arg12 : memref<!tpu.dma_semaphore, #tpu.memory_space<semaphore_mem>>)
    %dma_start3A_32 = arith.constant 3 : i32
    %dma_start3A_33 = arith.constant 384 : i32
    %dma_start3A_34 = arith.constant 0 : i32
    %dma_start3A_35 = tpu.memref_slice %arg8[%dma_start3A_33, %dma_start3A_34] : memref<512x16xf32, #tpu.memory_space<vmem>> -> memref<128x16xf32, #tpu.memory_space<vmem>>
    %dma_start3A_36 = arith.constant 0 : i32
    %dma_start3A_37 = tpu.memref_slice %arg7[%dma_start3A_32, %dma_start3A_36] : memref<4x128xi32, #tpu.memory_space<vmem>> -> memref<1x128xi32, #tpu.memory_space<vmem>>
    %dma_start3A_38 = tpu.memref_squeeze %dma_start3A_37 : memref<1x128xi32, #tpu.memory_space<vmem>> -> memref<128xi32, #tpu.memory_space<vmem>>
    %dma_start3A_39 = arith.constant 0 : i32
    %dma_start3A_40 = arith.constant 0 : i32
    %dma_start3A_41 = tpu.memref_slice %arg2[%dma_start3A_39, %dma_start3A_40] : memref<1000000x16xf32, #tpu.memory_space<hbm>> -> memref<1000000x16xf32, #tpu.memory_space<hbm>>
    tpu.enqueue_indirect_dma source(%dma_start3A_41 : memref<1000000x16xf32, #tpu.memory_space<hbm>>) target(%dma_start3A_35 : memref<128x16xf32, #tpu.memory_space<vmem>>) offsets(%dma_start3A_38 : memref<128xi32, #tpu.memory_space<vmem>>) semaphore(%arg12 : memref<!tpu.dma_semaphore, #tpu.memory_space<semaphore_mem>>)
    %dma_wait3A = arith.constant 0 : i32
    %dma_wait3A_42 = arith.constant 0 : i32
    %dma_wait3A_43 = arith.constant 0 : i32
    %dma_wait3A_44 = tpu.memref_slice %arg8[%dma_wait3A_42, %dma_wait3A_43] : memref<512x16xf32, #tpu.memory_space<vmem>> -> memref<128x16xf32, #tpu.memory_space<vmem>>
    %dma_wait3A_45 = arith.constant 0 : i32
    %dma_wait3A_46 = tpu.memref_slice %arg7[%dma_wait3A, %dma_wait3A_45] : memref<4x128xi32, #tpu.memory_space<vmem>> -> memref<1x128xi32, #tpu.memory_space<vmem>>
    %dma_wait3A_47 = tpu.memref_squeeze %dma_wait3A_46 : memref<1x128xi32, #tpu.memory_space<vmem>> -> memref<128xi32, #tpu.memory_space<vmem>>
    %dma_wait3A_48 = arith.constant 0 : i32
    %dma_wait3A_49 = arith.constant 0 : i32
    %dma_wait3A_50 = tpu.memref_slice %arg2[%dma_wait3A_48, %dma_wait3A_49] : memref<1000000x16xf32, #tpu.memory_space<hbm>> -> memref<1000000x16xf32, #tpu.memory_space<hbm>>
    tpu.wait_indirect_dma semaphore(%arg12 : memref<!tpu.dma_semaphore, #tpu.memory_space<semaphore_mem>>) src(%dma_wait3A_50 : memref<1000000x16xf32, #tpu.memory_space<hbm>>) dst(%dma_wait3A_44 : memref<128x16xf32, #tpu.memory_space<vmem>>)
    %dma_wait3A_51 = arith.constant 1 : i32
    %dma_wait3A_52 = arith.constant 128 : i32
    %dma_wait3A_53 = arith.constant 0 : i32
    %dma_wait3A_54 = tpu.memref_slice %arg8[%dma_wait3A_52, %dma_wait3A_53] : memref<512x16xf32, #tpu.memory_space<vmem>> -> memref<128x16xf32, #tpu.memory_space<vmem>>
    %dma_wait3A_55 = arith.constant 0 : i32
    %dma_wait3A_56 = tpu.memref_slice %arg7[%dma_wait3A_51, %dma_wait3A_55] : memref<4x128xi32, #tpu.memory_space<vmem>> -> memref<1x128xi32, #tpu.memory_space<vmem>>
    %dma_wait3A_57 = tpu.memref_squeeze %dma_wait3A_56 : memref<1x128xi32, #tpu.memory_space<vmem>> -> memref<128xi32, #tpu.memory_space<vmem>>
    %dma_wait3A_58 = arith.constant 0 : i32
    %dma_wait3A_59 = arith.constant 0 : i32
    %dma_wait3A_60 = tpu.memref_slice %arg2[%dma_wait3A_58, %dma_wait3A_59] : memref<1000000x16xf32, #tpu.memory_space<hbm>> -> memref<1000000x16xf32, #tpu.memory_space<hbm>>
    tpu.wait_indirect_dma semaphore(%arg12 : memref<!tpu.dma_semaphore, #tpu.memory_space<semaphore_mem>>) src(%dma_wait3A_60 : memref<1000000x16xf32, #tpu.memory_space<hbm>>) dst(%dma_wait3A_54 : memref<128x16xf32, #tpu.memory_space<vmem>>)
    %dma_wait3A_61 = arith.constant 2 : i32
    %dma_wait3A_62 = arith.constant 256 : i32
    %dma_wait3A_63 = arith.constant 0 : i32
    %dma_wait3A_64 = tpu.memref_slice %arg8[%dma_wait3A_62, %dma_wait3A_63] : memref<512x16xf32, #tpu.memory_space<vmem>> -> memref<128x16xf32, #tpu.memory_space<vmem>>
    %dma_wait3A_65 = arith.constant 0 : i32
    %dma_wait3A_66 = tpu.memref_slice %arg7[%dma_wait3A_61, %dma_wait3A_65] : memref<4x128xi32, #tpu.memory_space<vmem>> -> memref<1x128xi32, #tpu.memory_space<vmem>>
    %dma_wait3A_67 = tpu.memref_squeeze %dma_wait3A_66 : memref<1x128xi32, #tpu.memory_space<vmem>> -> memref<128xi32, #tpu.memory_space<vmem>>
    %dma_wait3A_68 = arith.constant 0 : i32
    %dma_wait3A_69 = arith.constant 0 : i32
    %dma_wait3A_70 = tpu.memref_slice %arg2[%dma_wait3A_68, %dma_wait3A_69] : memref<1000000x16xf32, #tpu.memory_space<hbm>> -> memref<1000000x16xf32, #tpu.memory_space<hbm>>
    tpu.wait_indirect_dma semaphore(%arg12 : memref<!tpu.dma_semaphore, #tpu.memory_space<semaphore_mem>>) src(%dma_wait3A_70 : memref<1000000x16xf32, #tpu.memory_space<hbm>>) dst(%dma_wait3A_64 : memref<128x16xf32, #tpu.memory_space<vmem>>)
    %dma_wait3A_71 = arith.constant 3 : i32
    %dma_wait3A_72 = arith.constant 384 : i32
    %dma_wait3A_73 = arith.constant 0 : i32
    %dma_wait3A_74 = tpu.memref_slice %arg8[%dma_wait3A_72, %dma_wait3A_73] : memref<512x16xf32, #tpu.memory_space<vmem>> -> memref<128x16xf32, #tpu.memory_space<vmem>>
    %dma_wait3A_75 = arith.constant 0 : i32
    %dma_wait3A_76 = tpu.memref_slice %arg7[%dma_wait3A_71, %dma_wait3A_75] : memref<4x128xi32, #tpu.memory_space<vmem>> -> memref<1x128xi32, #tpu.memory_space<vmem>>
    %dma_wait3A_77 = tpu.memref_squeeze %dma_wait3A_76 : memref<1x128xi32, #tpu.memory_space<vmem>> -> memref<128xi32, #tpu.memory_space<vmem>>
    %dma_wait3A_78 = arith.constant 0 : i32
    %dma_wait3A_79 = arith.constant 0 : i32
    %dma_wait3A_80 = tpu.memref_slice %arg2[%dma_wait3A_78, %dma_wait3A_79] : memref<1000000x16xf32, #tpu.memory_space<hbm>> -> memref<1000000x16xf32, #tpu.memory_space<hbm>>
    tpu.wait_indirect_dma semaphore(%arg12 : memref<!tpu.dma_semaphore, #tpu.memory_space<semaphore_mem>>) src(%dma_wait3A_80 : memref<1000000x16xf32, #tpu.memory_space<hbm>>) dst(%dma_wait3A_74 : memref<128x16xf32, #tpu.memory_space<vmem>>)
    "tpu.region"() ({
      %run_scoped3A = tpu.sem_alloc : memref<!tpu.dma_semaphore, #tpu.memory_space<semaphore_mem>>
      %dma_start3A_92 = arith.constant 0 : i32
      %dma_start3A_93 = tpu.memref_slice %arg5[%mul3A_2, %dma_start3A_92] : memref<16384x16xf32, #tpu.memory_space<hbm>> -> memref<512x16xf32, #tpu.memory_space<hbm>>
      %dma_start3A_94 = arith.constant 0 : i32
      %dma_start3A_95 = tpu.memref_slice %arg5[%mul3A_2, %dma_start3A_94] : memref<16384x16xf32, #tpu.memory_space<hbm>> -> memref<512x16xf32, #tpu.memory_space<hbm>>
      tpu.enqueue_dma source(%arg8 : memref<512x16xf32, #tpu.memory_space<vmem>>) target(%dma_start3A_95 : memref<512x16xf32, #tpu.memory_space<hbm>>) target_semaphore(%run_scoped3A : memref<!tpu.dma_semaphore, #tpu.memory_space<semaphore_mem>>)
      %dma_wait3A_96 = arith.constant 0 : i32
      %dma_wait3A_97 = tpu.memref_slice %arg5[%mul3A_2, %dma_wait3A_96] : memref<16384x16xf32, #tpu.memory_space<hbm>> -> memref<512x16xf32, #tpu.memory_space<hbm>>
      %dma_wait3A_98 = arith.constant 0 : i32
      %dma_wait3A_99 = tpu.memref_slice %arg5[%mul3A_2, %dma_wait3A_98] : memref<16384x16xf32, #tpu.memory_space<hbm>> -> memref<512x16xf32, #tpu.memory_space<hbm>>
      tpu.wait_dma2 semaphore(%run_scoped3A : memref<!tpu.dma_semaphore, #tpu.memory_space<semaphore_mem>>) src(%arg8 : memref<512x16xf32, #tpu.memory_space<vmem>>) dst(%dma_wait3A_99 : memref<512x16xf32, #tpu.memory_space<hbm>>)
      tpu.yield
    }) : () -> ()
    %broadcast_in_dim3A = arith.constant 0.000000e+00 : f32
    %broadcast_in_dim3A_81 = vector.broadcast %broadcast_in_dim3A : f32 to vector<16xf32>
    %scan3A = arith.constant 0 : i32
    %scan3A_82 = arith.constant 8 : i32
    %scan3A_83 = arith.addi %scan3A, %scan3A_82 : i32
    %scan3A_84 = arith.constant 1 : i32
    %scan3A_85 = scf.for %scan3A_92 = %scan3A to %scan3A_83 step %scan3A_84 iter_args(%scan3A_93 = %broadcast_in_dim3A_81) -> (vector<16xf32>)  : i32 {
      %mul3A_94 = arith.constant 25 : i32
      %mul3A_95 = arith.muli %scan3A_92, %mul3A_94 : i32
      %add3A_96 = arith.constant 0 : i32
      %add3A_97 = arith.addi %mul3A_95, %add3A_96 : i32
      %dma_start3A_98 = arith.constant 0 : i32
      %dma_start3A_99 = arith.constant 0 : i32
      %dma_start3A_100 = tpu.memref_slice %arg10[%dma_start3A_98, %dma_start3A_99] : memref<3200x16xf32, #tpu.memory_space<vmem>> -> memref<128x16xf32, #tpu.memory_space<vmem>>
      %dma_start3A_101 = arith.constant 0 : i32
      %dma_start3A_102 = tpu.memref_slice %arg9[%add3A_97, %dma_start3A_101] : memref<200x128xi32, #tpu.memory_space<vmem>> -> memref<1x128xi32, #tpu.memory_space<vmem>>
      %dma_start3A_103 = tpu.memref_squeeze %dma_start3A_102 : memref<1x128xi32, #tpu.memory_space<vmem>> -> memref<128xi32, #tpu.memory_space<vmem>>
      %dma_start3A_104 = arith.constant 0 : i32
      %dma_start3A_105 = arith.constant 0 : i32
      %dma_start3A_106 = tpu.memref_slice %arg2[%dma_start3A_104, %dma_start3A_105] : memref<1000000x16xf32, #tpu.memory_space<hbm>> -> memref<1000000x16xf32, #tpu.memory_space<hbm>>
      tpu.enqueue_indirect_dma source(%dma_start3A_106 : memref<1000000x16xf32, #tpu.memory_space<hbm>>) target(%dma_start3A_100 : memref<128x16xf32, #tpu.memory_space<vmem>>) offsets(%dma_start3A_103 : memref<128xi32, #tpu.memory_space<vmem>>) semaphore(%arg12 : memref<!tpu.dma_semaphore, #tpu.memory_space<semaphore_mem>>)
      %mul3A_107 = arith.constant 25 : i32
      %mul3A_108 = arith.muli %scan3A_92, %mul3A_107 : i32
      %add3A_109 = arith.constant 1 : i32
      %add3A_110 = arith.addi %mul3A_108, %add3A_109 : i32
      %dma_start3A_111 = arith.constant 128 : i32
      %dma_start3A_112 = arith.constant 0 : i32
      %dma_start3A_113 = tpu.memref_slice %arg10[%dma_start3A_111, %dma_start3A_112] : memref<3200x16xf32, #tpu.memory_space<vmem>> -> memref<128x16xf32, #tpu.memory_space<vmem>>
      %dma_start3A_114 = arith.constant 0 : i32
      %dma_start3A_115 = tpu.memref_slice %arg9[%add3A_110, %dma_start3A_114] : memref<200x128xi32, #tpu.memory_space<vmem>> -> memref<1x128xi32, #tpu.memory_space<vmem>>
      %dma_start3A_116 = tpu.memref_squeeze %dma_start3A_115 : memref<1x128xi32, #tpu.memory_space<vmem>> -> memref<128xi32, #tpu.memory_space<vmem>>
      %dma_start3A_117 = arith.constant 0 : i32
      %dma_start3A_118 = arith.constant 0 : i32
      %dma_start3A_119 = tpu.memref_slice %arg2[%dma_start3A_117, %dma_start3A_118] : memref<1000000x16xf32, #tpu.memory_space<hbm>> -> memref<1000000x16xf32, #tpu.memory_space<hbm>>
      tpu.enqueue_indirect_dma source(%dma_start3A_119 : memref<1000000x16xf32, #tpu.memory_space<hbm>>) target(%dma_start3A_113 : memref<128x16xf32, #tpu.memory_space<vmem>>) offsets(%dma_start3A_116 : memref<128xi32, #tpu.memory_space<vmem>>) semaphore(%arg12 : memref<!tpu.dma_semaphore, #tpu.memory_space<semaphore_mem>>)
      %mul3A_120 = arith.constant 25 : i32
      %mul3A_121 = arith.muli %scan3A_92, %mul3A_120 : i32
      %add3A_122 = arith.constant 2 : i32
      %add3A_123 = arith.addi %mul3A_121, %add3A_122 : i32
      %dma_start3A_124 = arith.constant 256 : i32
      %dma_start3A_125 = arith.constant 0 : i32
      %dma_start3A_126 = tpu.memref_slice %arg10[%dma_start3A_124, %dma_start3A_125] : memref<3200x16xf32, #tpu.memory_space<vmem>> -> memref<128x16xf32, #tpu.memory_space<vmem>>
      %dma_start3A_127 = arith.constant 0 : i32
      %dma_start3A_128 = tpu.memref_slice %arg9[%add3A_123, %dma_start3A_127] : memref<200x128xi32, #tpu.memory_space<vmem>> -> memref<1x128xi32, #tpu.memory_space<vmem>>
      %dma_start3A_129 = tpu.memref_squeeze %dma_start3A_128 : memref<1x128xi32, #tpu.memory_space<vmem>> -> memref<128xi32, #tpu.memory_space<vmem>>
      %dma_start3A_130 = arith.constant 0 : i32
      %dma_start3A_131 = arith.constant 0 : i32
      %dma_start3A_132 = tpu.memref_slice %arg2[%dma_start3A_130, %dma_start3A_131] : memref<1000000x16xf32, #tpu.memory_space<hbm>> -> memref<1000000x16xf32, #tpu.memory_space<hbm>>
      tpu.enqueue_indirect_dma source(%dma_start3A_132 : memref<1000000x16xf32, #tpu.memory_space<hbm>>) target(%dma_start3A_126 : memref<128x16xf32, #tpu.memory_space<vmem>>) offsets(%dma_start3A_129 : memref<128xi32, #tpu.memory_space<vmem>>) semaphore(%arg12 : memref<!tpu.dma_semaphore, #tpu.memory_space<semaphore_mem>>)
      %mul3A_133 = arith.constant 25 : i32
      %mul3A_134 = arith.muli %scan3A_92, %mul3A_133 : i32
      %add3A_135 = arith.constant 3 : i32
      %add3A_136 = arith.addi %mul3A_134, %add3A_135 : i32
      %dma_start3A_137 = arith.constant 384 : i32
      %dma_start3A_138 = arith.constant 0 : i32
      %dma_start3A_139 = tpu.memref_slice %arg10[%dma_start3A_137, %dma_start3A_138] : memref<3200x16xf32, #tpu.memory_space<vmem>> -> memref<128x16xf32, #tpu.memory_space<vmem>>
      %dma_start3A_140 = arith.constant 0 : i32
      %dma_start3A_141 = tpu.memref_slice %arg9[%add3A_136, %dma_start3A_140] : memref<200x128xi32, #tpu.memory_space<vmem>> -> memref<1x128xi32, #tpu.memory_space<vmem>>
      %dma_start3A_142 = tpu.memref_squeeze %dma_start3A_141 : memref<1x128xi32, #tpu.memory_space<vmem>> -> memref<128xi32, #tpu.memory_space<vmem>>
      %dma_start3A_143 = arith.constant 0 : i32
      %dma_start3A_144 = arith.constant 0 : i32
      %dma_start3A_145 = tpu.memref_slice %arg2[%dma_start3A_143, %dma_start3A_144] : memref<1000000x16xf32, #tpu.memory_space<hbm>> -> memref<1000000x16xf32, #tpu.memory_space<hbm>>
      tpu.enqueue_indirect_dma source(%dma_start3A_145 : memref<1000000x16xf32, #tpu.memory_space<hbm>>) target(%dma_start3A_139 : memref<128x16xf32, #tpu.memory_space<vmem>>) offsets(%dma_start3A_142 : memref<128xi32, #tpu.memory_space<vmem>>) semaphore(%arg12 : memref<!tpu.dma_semaphore, #tpu.memory_space<semaphore_mem>>)
      %mul3A_146 = arith.constant 25 : i32
      %mul3A_147 = arith.muli %scan3A_92, %mul3A_146 : i32
      %add3A_148 = arith.constant 4 : i32
      %add3A_149 = arith.addi %mul3A_147, %add3A_148 : i32
      %dma_start3A_150 = arith.constant 512 : i32
      %dma_start3A_151 = arith.constant 0 : i32
      %dma_start3A_152 = tpu.memref_slice %arg10[%dma_start3A_150, %dma_start3A_151] : memref<3200x16xf32, #tpu.memory_space<vmem>> -> memref<128x16xf32, #tpu.memory_space<vmem>>
      %dma_start3A_153 = arith.constant 0 : i32
      %dma_start3A_154 = tpu.memref_slice %arg9[%add3A_149, %dma_start3A_153] : memref<200x128xi32, #tpu.memory_space<vmem>> -> memref<1x128xi32, #tpu.memory_space<vmem>>
      %dma_start3A_155 = tpu.memref_squeeze %dma_start3A_154 : memref<1x128xi32, #tpu.memory_space<vmem>> -> memref<128xi32, #tpu.memory_space<vmem>>
      %dma_start3A_156 = arith.constant 0 : i32
      %dma_start3A_157 = arith.constant 0 : i32
      %dma_start3A_158 = tpu.memref_slice %arg2[%dma_start3A_156, %dma_start3A_157] : memref<1000000x16xf32, #tpu.memory_space<hbm>> -> memref<1000000x16xf32, #tpu.memory_space<hbm>>
      tpu.enqueue_indirect_dma source(%dma_start3A_158 : memref<1000000x16xf32, #tpu.memory_space<hbm>>) target(%dma_start3A_152 : memref<128x16xf32, #tpu.memory_space<vmem>>) offsets(%dma_start3A_155 : memref<128xi32, #tpu.memory_space<vmem>>) semaphore(%arg12 : memref<!tpu.dma_semaphore, #tpu.memory_space<semaphore_mem>>)
      %mul3A_159 = arith.constant 25 : i32
      %mul3A_160 = arith.muli %scan3A_92, %mul3A_159 : i32
      %add3A_161 = arith.constant 5 : i32
      %add3A_162 = arith.addi %mul3A_160, %add3A_161 : i32
      %dma_start3A_163 = arith.constant 640 : i32
      %dma_start3A_164 = arith.constant 0 : i32
      %dma_start3A_165 = tpu.memref_slice %arg10[%dma_start3A_163, %dma_start3A_164] : memref<3200x16xf32, #tpu.memory_space<vmem>> -> memref<128x16xf32, #tpu.memory_space<vmem>>
      %dma_start3A_166 = arith.constant 0 : i32
      %dma_start3A_167 = tpu.memref_slice %arg9[%add3A_162, %dma_start3A_166] : memref<200x128xi32, #tpu.memory_space<vmem>> -> memref<1x128xi32, #tpu.memory_space<vmem>>
      %dma_start3A_168 = tpu.memref_squeeze %dma_start3A_167 : memref<1x128xi32, #tpu.memory_space<vmem>> -> memref<128xi32, #tpu.memory_space<vmem>>
      %dma_start3A_169 = arith.constant 0 : i32
      %dma_start3A_170 = arith.constant 0 : i32
      %dma_start3A_171 = tpu.memref_slice %arg2[%dma_start3A_169, %dma_start3A_170] : memref<1000000x16xf32, #tpu.memory_space<hbm>> -> memref<1000000x16xf32, #tpu.memory_space<hbm>>
      tpu.enqueue_indirect_dma source(%dma_start3A_171 : memref<1000000x16xf32, #tpu.memory_space<hbm>>) target(%dma_start3A_165 : memref<128x16xf32, #tpu.memory_space<vmem>>) offsets(%dma_start3A_168 : memref<128xi32, #tpu.memory_space<vmem>>) semaphore(%arg12 : memref<!tpu.dma_semaphore, #tpu.memory_space<semaphore_mem>>)
      %mul3A_172 = arith.constant 25 : i32
      %mul3A_173 = arith.muli %scan3A_92, %mul3A_172 : i32
      %add3A_174 = arith.constant 6 : i32
      %add3A_175 = arith.addi %mul3A_173, %add3A_174 : i32
      %dma_start3A_176 = arith.constant 768 : i32
      %dma_start3A_177 = arith.constant 0 : i32
      %dma_start3A_178 = tpu.memref_slice %arg10[%dma_start3A_176, %dma_start3A_177] : memref<3200x16xf32, #tpu.memory_space<vmem>> -> memref<128x16xf32, #tpu.memory_space<vmem>>
      %dma_start3A_179 = arith.constant 0 : i32
      %dma_start3A_180 = tpu.memref_slice %arg9[%add3A_175, %dma_start3A_179] : memref<200x128xi32, #tpu.memory_space<vmem>> -> memref<1x128xi32, #tpu.memory_space<vmem>>
      %dma_start3A_181 = tpu.memref_squeeze %dma_start3A_180 : memref<1x128xi32, #tpu.memory_space<vmem>> -> memref<128xi32, #tpu.memory_space<vmem>>
      %dma_start3A_182 = arith.constant 0 : i32
      %dma_start3A_183 = arith.constant 0 : i32
      %dma_start3A_184 = tpu.memref_slice %arg2[%dma_start3A_182, %dma_start3A_183] : memref<1000000x16xf32, #tpu.memory_space<hbm>> -> memref<1000000x16xf32, #tpu.memory_space<hbm>>
      tpu.enqueue_indirect_dma source(%dma_start3A_184 : memref<1000000x16xf32, #tpu.memory_space<hbm>>) target(%dma_start3A_178 : memref<128x16xf32, #tpu.memory_space<vmem>>) offsets(%dma_start3A_181 : memref<128xi32, #tpu.memory_space<vmem>>) semaphore(%arg12 : memref<!tpu.dma_semaphore, #tpu.memory_space<semaphore_mem>>)
      %mul3A_185 = arith.constant 25 : i32
      %mul3A_186 = arith.muli %scan3A_92, %mul3A_185 : i32
      %add3A_187 = arith.constant 7 : i32
      %add3A_188 = arith.addi %mul3A_186, %add3A_187 : i32
      %dma_start3A_189 = arith.constant 896 : i32
      %dma_start3A_190 = arith.constant 0 : i32
      %dma_start3A_191 = tpu.memref_slice %arg10[%dma_start3A_189, %dma_start3A_190] : memref<3200x16xf32, #tpu.memory_space<vmem>> -> memref<128x16xf32, #tpu.memory_space<vmem>>
      %dma_start3A_192 = arith.constant 0 : i32
      %dma_start3A_193 = tpu.memref_slice %arg9[%add3A_188, %dma_start3A_192] : memref<200x128xi32, #tpu.memory_space<vmem>> -> memref<1x128xi32, #tpu.memory_space<vmem>>
      %dma_start3A_194 = tpu.memref_squeeze %dma_start3A_193 : memref<1x128xi32, #tpu.memory_space<vmem>> -> memref<128xi32, #tpu.memory_space<vmem>>
      %dma_start3A_195 = arith.constant 0 : i32
      %dma_start3A_196 = arith.constant 0 : i32
      %dma_start3A_197 = tpu.memref_slice %arg2[%dma_start3A_195, %dma_start3A_196] : memref<1000000x16xf32, #tpu.memory_space<hbm>> -> memref<1000000x16xf32, #tpu.memory_space<hbm>>
      tpu.enqueue_indirect_dma source(%dma_start3A_197 : memref<1000000x16xf32, #tpu.memory_space<hbm>>) target(%dma_start3A_191 : memref<128x16xf32, #tpu.memory_space<vmem>>) offsets(%dma_start3A_194 : memref<128xi32, #tpu.memory_space<vmem>>) semaphore(%arg12 : memref<!tpu.dma_semaphore, #tpu.memory_space<semaphore_mem>>)
      %mul3A_198 = arith.constant 25 : i32
      %mul3A_199 = arith.muli %scan3A_92, %mul3A_198 : i32
      %add3A_200 = arith.constant 8 : i32
      %add3A_201 = arith.addi %mul3A_199, %add3A_200 : i32
      %dma_start3A_202 = arith.constant 1024 : i32
      %dma_start3A_203 = arith.constant 0 : i32
      %dma_start3A_204 = tpu.memref_slice %arg10[%dma_start3A_202, %dma_start3A_203] : memref<3200x16xf32, #tpu.memory_space<vmem>> -> memref<128x16xf32, #tpu.memory_space<vmem>>
      %dma_start3A_205 = arith.constant 0 : i32
      %dma_start3A_206 = tpu.memref_slice %arg9[%add3A_201, %dma_start3A_205] : memref<200x128xi32, #tpu.memory_space<vmem>> -> memref<1x128xi32, #tpu.memory_space<vmem>>
      %dma_start3A_207 = tpu.memref_squeeze %dma_start3A_206 : memref<1x128xi32, #tpu.memory_space<vmem>> -> memref<128xi32, #tpu.memory_space<vmem>>
      %dma_start3A_208 = arith.constant 0 : i32
      %dma_start3A_209 = arith.constant 0 : i32
      %dma_start3A_210 = tpu.memref_slice %arg2[%dma_start3A_208, %dma_start3A_209] : memref<1000000x16xf32, #tpu.memory_space<hbm>> -> memref<1000000x16xf32, #tpu.memory_space<hbm>>
      tpu.enqueue_indirect_dma source(%dma_start3A_210 : memref<1000000x16xf32, #tpu.memory_space<hbm>>) target(%dma_start3A_204 : memref<128x16xf32, #tpu.memory_space<vmem>>) offsets(%dma_start3A_207 : memref<128xi32, #tpu.memory_space<vmem>>) semaphore(%arg12 : memref<!tpu.dma_semaphore, #tpu.memory_space<semaphore_mem>>)
      %mul3A_211 = arith.constant 25 : i32
      %mul3A_212 = arith.muli %scan3A_92, %mul3A_211 : i32
      %add3A_213 = arith.constant 9 : i32
      %add3A_214 = arith.addi %mul3A_212, %add3A_213 : i32
      %dma_start3A_215 = arith.constant 1152 : i32
      %dma_start3A_216 = arith.constant 0 : i32
      %dma_start3A_217 = tpu.memref_slice %arg10[%dma_start3A_215, %dma_start3A_216] : memref<3200x16xf32, #tpu.memory_space<vmem>> -> memref<128x16xf32, #tpu.memory_space<vmem>>
      %dma_start3A_218 = arith.constant 0 : i32
      %dma_start3A_219 = tpu.memref_slice %arg9[%add3A_214, %dma_start3A_218] : memref<200x128xi32, #tpu.memory_space<vmem>> -> memref<1x128xi32, #tpu.memory_space<vmem>>
      %dma_start3A_220 = tpu.memref_squeeze %dma_start3A_219 : memref<1x128xi32, #tpu.memory_space<vmem>> -> memref<128xi32, #tpu.memory_space<vmem>>
      %dma_start3A_221 = arith.constant 0 : i32
      %dma_start3A_222 = arith.constant 0 : i32
      %dma_start3A_223 = tpu.memref_slice %arg2[%dma_start3A_221, %dma_start3A_222] : memref<1000000x16xf32, #tpu.memory_space<hbm>> -> memref<1000000x16xf32, #tpu.memory_space<hbm>>
      tpu.enqueue_indirect_dma source(%dma_start3A_223 : memref<1000000x16xf32, #tpu.memory_space<hbm>>) target(%dma_start3A_217 : memref<128x16xf32, #tpu.memory_space<vmem>>) offsets(%dma_start3A_220 : memref<128xi32, #tpu.memory_space<vmem>>) semaphore(%arg12 : memref<!tpu.dma_semaphore, #tpu.memory_space<semaphore_mem>>)
      %mul3A_224 = arith.constant 25 : i32
      %mul3A_225 = arith.muli %scan3A_92, %mul3A_224 : i32
      %add3A_226 = arith.constant 10 : i32
      %add3A_227 = arith.addi %mul3A_225, %add3A_226 : i32
      %dma_start3A_228 = arith.constant 1280 : i32
      %dma_start3A_229 = arith.constant 0 : i32
      %dma_start3A_230 = tpu.memref_slice %arg10[%dma_start3A_228, %dma_start3A_229] : memref<3200x16xf32, #tpu.memory_space<vmem>> -> memref<128x16xf32, #tpu.memory_space<vmem>>
      %dma_start3A_231 = arith.constant 0 : i32
      %dma_start3A_232 = tpu.memref_slice %arg9[%add3A_227, %dma_start3A_231] : memref<200x128xi32, #tpu.memory_space<vmem>> -> memref<1x128xi32, #tpu.memory_space<vmem>>
      %dma_start3A_233 = tpu.memref_squeeze %dma_start3A_232 : memref<1x128xi32, #tpu.memory_space<vmem>> -> memref<128xi32, #tpu.memory_space<vmem>>
      %dma_start3A_234 = arith.constant 0 : i32
      %dma_start3A_235 = arith.constant 0 : i32
      %dma_start3A_236 = tpu.memref_slice %arg2[%dma_start3A_234, %dma_start3A_235] : memref<1000000x16xf32, #tpu.memory_space<hbm>> -> memref<1000000x16xf32, #tpu.memory_space<hbm>>
      tpu.enqueue_indirect_dma source(%dma_start3A_236 : memref<1000000x16xf32, #tpu.memory_space<hbm>>) target(%dma_start3A_230 : memref<128x16xf32, #tpu.memory_space<vmem>>) offsets(%dma_start3A_233 : memref<128xi32, #tpu.memory_space<vmem>>) semaphore(%arg12 : memref<!tpu.dma_semaphore, #tpu.memory_space<semaphore_mem>>)
      %mul3A_237 = arith.constant 25 : i32
      %mul3A_238 = arith.muli %scan3A_92, %mul3A_237 : i32
      %add3A_239 = arith.constant 11 : i32
      %add3A_240 = arith.addi %mul3A_238, %add3A_239 : i32
      %dma_start3A_241 = arith.constant 1408 : i32
      %dma_start3A_242 = arith.constant 0 : i32
      %dma_start3A_243 = tpu.memref_slice %arg10[%dma_start3A_241, %dma_start3A_242] : memref<3200x16xf32, #tpu.memory_space<vmem>> -> memref<128x16xf32, #tpu.memory_space<vmem>>
      %dma_start3A_244 = arith.constant 0 : i32
      %dma_start3A_245 = tpu.memref_slice %arg9[%add3A_240, %dma_start3A_244] : memref<200x128xi32, #tpu.memory_space<vmem>> -> memref<1x128xi32, #tpu.memory_space<vmem>>
      %dma_start3A_246 = tpu.memref_squeeze %dma_start3A_245 : memref<1x128xi32, #tpu.memory_space<vmem>> -> memref<128xi32, #tpu.memory_space<vmem>>
      %dma_start3A_247 = arith.constant 0 : i32
      %dma_start3A_248 = arith.constant 0 : i32
      %dma_start3A_249 = tpu.memref_slice %arg2[%dma_start3A_247, %dma_start3A_248] : memref<1000000x16xf32, #tpu.memory_space<hbm>> -> memref<1000000x16xf32, #tpu.memory_space<hbm>>
      tpu.enqueue_indirect_dma source(%dma_start3A_249 : memref<1000000x16xf32, #tpu.memory_space<hbm>>) target(%dma_start3A_243 : memref<128x16xf32, #tpu.memory_space<vmem>>) offsets(%dma_start3A_246 : memref<128xi32, #tpu.memory_space<vmem>>) semaphore(%arg12 : memref<!tpu.dma_semaphore, #tpu.memory_space<semaphore_mem>>)
      %mul3A_250 = arith.constant 25 : i32
      %mul3A_251 = arith.muli %scan3A_92, %mul3A_250 : i32
      %add3A_252 = arith.constant 12 : i32
      %add3A_253 = arith.addi %mul3A_251, %add3A_252 : i32
      %dma_start3A_254 = arith.constant 1536 : i32
      %dma_start3A_255 = arith.constant 0 : i32
      %dma_start3A_256 = tpu.memref_slice %arg10[%dma_start3A_254, %dma_start3A_255] : memref<3200x16xf32, #tpu.memory_space<vmem>> -> memref<128x16xf32, #tpu.memory_space<vmem>>
      %dma_start3A_257 = arith.constant 0 : i32
      %dma_start3A_258 = tpu.memref_slice %arg9[%add3A_253, %dma_start3A_257] : memref<200x128xi32, #tpu.memory_space<vmem>> -> memref<1x128xi32, #tpu.memory_space<vmem>>
      %dma_start3A_259 = tpu.memref_squeeze %dma_start3A_258 : memref<1x128xi32, #tpu.memory_space<vmem>> -> memref<128xi32, #tpu.memory_space<vmem>>
      %dma_start3A_260 = arith.constant 0 : i32
      %dma_start3A_261 = arith.constant 0 : i32
      %dma_start3A_262 = tpu.memref_slice %arg2[%dma_start3A_260, %dma_start3A_261] : memref<1000000x16xf32, #tpu.memory_space<hbm>> -> memref<1000000x16xf32, #tpu.memory_space<hbm>>
      tpu.enqueue_indirect_dma source(%dma_start3A_262 : memref<1000000x16xf32, #tpu.memory_space<hbm>>) target(%dma_start3A_256 : memref<128x16xf32, #tpu.memory_space<vmem>>) offsets(%dma_start3A_259 : memref<128xi32, #tpu.memory_space<vmem>>) semaphore(%arg12 : memref<!tpu.dma_semaphore, #tpu.memory_space<semaphore_mem>>)
      %mul3A_263 = arith.constant 25 : i32
      %mul3A_264 = arith.muli %scan3A_92, %mul3A_263 : i32
      %add3A_265 = arith.constant 13 : i32
      %add3A_266 = arith.addi %mul3A_264, %add3A_265 : i32
      %dma_start3A_267 = arith.constant 1664 : i32
      %dma_start3A_268 = arith.constant 0 : i32
      %dma_start3A_269 = tpu.memref_slice %arg10[%dma_start3A_267, %dma_start3A_268] : memref<3200x16xf32, #tpu.memory_space<vmem>> -> memref<128x16xf32, #tpu.memory_space<vmem>>
      %dma_start3A_270 = arith.constant 0 : i32
      %dma_start3A_271 = tpu.memref_slice %arg9[%add3A_266, %dma_start3A_270] : memref<200x128xi32, #tpu.memory_space<vmem>> -> memref<1x128xi32, #tpu.memory_space<vmem>>
      %dma_start3A_272 = tpu.memref_squeeze %dma_start3A_271 : memref<1x128xi32, #tpu.memory_space<vmem>> -> memref<128xi32, #tpu.memory_space<vmem>>
      %dma_start3A_273 = arith.constant 0 : i32
      %dma_start3A_274 = arith.constant 0 : i32
      %dma_start3A_275 = tpu.memref_slice %arg2[%dma_start3A_273, %dma_start3A_274] : memref<1000000x16xf32, #tpu.memory_space<hbm>> -> memref<1000000x16xf32, #tpu.memory_space<hbm>>
      tpu.enqueue_indirect_dma source(%dma_start3A_275 : memref<1000000x16xf32, #tpu.memory_space<hbm>>) target(%dma_start3A_269 : memref<128x16xf32, #tpu.memory_space<vmem>>) offsets(%dma_start3A_272 : memref<128xi32, #tpu.memory_space<vmem>>) semaphore(%arg12 : memref<!tpu.dma_semaphore, #tpu.memory_space<semaphore_mem>>)
      %mul3A_276 = arith.constant 25 : i32
      %mul3A_277 = arith.muli %scan3A_92, %mul3A_276 : i32
      %add3A_278 = arith.constant 14 : i32
      %add3A_279 = arith.addi %mul3A_277, %add3A_278 : i32
      %dma_start3A_280 = arith.constant 1792 : i32
      %dma_start3A_281 = arith.constant 0 : i32
      %dma_start3A_282 = tpu.memref_slice %arg10[%dma_start3A_280, %dma_start3A_281] : memref<3200x16xf32, #tpu.memory_space<vmem>> -> memref<128x16xf32, #tpu.memory_space<vmem>>
      %dma_start3A_283 = arith.constant 0 : i32
      %dma_start3A_284 = tpu.memref_slice %arg9[%add3A_279, %dma_start3A_283] : memref<200x128xi32, #tpu.memory_space<vmem>> -> memref<1x128xi32, #tpu.memory_space<vmem>>
      %dma_start3A_285 = tpu.memref_squeeze %dma_start3A_284 : memref<1x128xi32, #tpu.memory_space<vmem>> -> memref<128xi32, #tpu.memory_space<vmem>>
      %dma_start3A_286 = arith.constant 0 : i32
      %dma_start3A_287 = arith.constant 0 : i32
      %dma_start3A_288 = tpu.memref_slice %arg2[%dma_start3A_286, %dma_start3A_287] : memref<1000000x16xf32, #tpu.memory_space<hbm>> -> memref<1000000x16xf32, #tpu.memory_space<hbm>>
      tpu.enqueue_indirect_dma source(%dma_start3A_288 : memref<1000000x16xf32, #tpu.memory_space<hbm>>) target(%dma_start3A_282 : memref<128x16xf32, #tpu.memory_space<vmem>>) offsets(%dma_start3A_285 : memref<128xi32, #tpu.memory_space<vmem>>) semaphore(%arg12 : memref<!tpu.dma_semaphore, #tpu.memory_space<semaphore_mem>>)
      %mul3A_289 = arith.constant 25 : i32
      %mul3A_290 = arith.muli %scan3A_92, %mul3A_289 : i32
      %add3A_291 = arith.constant 15 : i32
      %add3A_292 = arith.addi %mul3A_290, %add3A_291 : i32
      %dma_start3A_293 = arith.constant 1920 : i32
      %dma_start3A_294 = arith.constant 0 : i32
      %dma_start3A_295 = tpu.memref_slice %arg10[%dma_start3A_293, %dma_start3A_294] : memref<3200x16xf32, #tpu.memory_space<vmem>> -> memref<128x16xf32, #tpu.memory_space<vmem>>
      %dma_start3A_296 = arith.constant 0 : i32
      %dma_start3A_297 = tpu.memref_slice %arg9[%add3A_292, %dma_start3A_296] : memref<200x128xi32, #tpu.memory_space<vmem>> -> memref<1x128xi32, #tpu.memory_space<vmem>>
      %dma_start3A_298 = tpu.memref_squeeze %dma_start3A_297 : memref<1x128xi32, #tpu.memory_space<vmem>> -> memref<128xi32, #tpu.memory_space<vmem>>
      %dma_start3A_299 = arith.constant 0 : i32
      %dma_start3A_300 = arith.constant 0 : i32
      %dma_start3A_301 = tpu.memref_slice %arg2[%dma_start3A_299, %dma_start3A_300] : memref<1000000x16xf32, #tpu.memory_space<hbm>> -> memref<1000000x16xf32, #tpu.memory_space<hbm>>
      tpu.enqueue_indirect_dma source(%dma_start3A_301 : memref<1000000x16xf32, #tpu.memory_space<hbm>>) target(%dma_start3A_295 : memref<128x16xf32, #tpu.memory_space<vmem>>) offsets(%dma_start3A_298 : memref<128xi32, #tpu.memory_space<vmem>>) semaphore(%arg12 : memref<!tpu.dma_semaphore, #tpu.memory_space<semaphore_mem>>)
      %mul3A_302 = arith.constant 25 : i32
      %mul3A_303 = arith.muli %scan3A_92, %mul3A_302 : i32
      %add3A_304 = arith.constant 16 : i32
      %add3A_305 = arith.addi %mul3A_303, %add3A_304 : i32
      %dma_start3A_306 = arith.constant 2048 : i32
      %dma_start3A_307 = arith.constant 0 : i32
      %dma_start3A_308 = tpu.memref_slice %arg10[%dma_start3A_306, %dma_start3A_307] : memref<3200x16xf32, #tpu.memory_space<vmem>> -> memref<128x16xf32, #tpu.memory_space<vmem>>
      %dma_start3A_309 = arith.constant 0 : i32
      %dma_start3A_310 = tpu.memref_slice %arg9[%add3A_305, %dma_start3A_309] : memref<200x128xi32, #tpu.memory_space<vmem>> -> memref<1x128xi32, #tpu.memory_space<vmem>>
      %dma_start3A_311 = tpu.memref_squeeze %dma_start3A_310 : memref<1x128xi32, #tpu.memory_space<vmem>> -> memref<128xi32, #tpu.memory_space<vmem>>
      %dma_start3A_312 = arith.constant 0 : i32
      %dma_start3A_313 = arith.constant 0 : i32
      %dma_start3A_314 = tpu.memref_slice %arg2[%dma_start3A_312, %dma_start3A_313] : memref<1000000x16xf32, #tpu.memory_space<hbm>> -> memref<1000000x16xf32, #tpu.memory_space<hbm>>
      tpu.enqueue_indirect_dma source(%dma_start3A_314 : memref<1000000x16xf32, #tpu.memory_space<hbm>>) target(%dma_start3A_308 : memref<128x16xf32, #tpu.memory_space<vmem>>) offsets(%dma_start3A_311 : memref<128xi32, #tpu.memory_space<vmem>>) semaphore(%arg12 : memref<!tpu.dma_semaphore, #tpu.memory_space<semaphore_mem>>)
      %mul3A_315 = arith.constant 25 : i32
      %mul3A_316 = arith.muli %scan3A_92, %mul3A_315 : i32
      %add3A_317 = arith.constant 17 : i32
      %add3A_318 = arith.addi %mul3A_316, %add3A_317 : i32
      %dma_start3A_319 = arith.constant 2176 : i32
      %dma_start3A_320 = arith.constant 0 : i32
      %dma_start3A_321 = tpu.memref_slice %arg10[%dma_start3A_319, %dma_start3A_320] : memref<3200x16xf32, #tpu.memory_space<vmem>> -> memref<128x16xf32, #tpu.memory_space<vmem>>
      %dma_start3A_322 = arith.constant 0 : i32
      %dma_start3A_323 = tpu.memref_slice %arg9[%add3A_318, %dma_start3A_322] : memref<200x128xi32, #tpu.memory_space<vmem>> -> memref<1x128xi32, #tpu.memory_space<vmem>>
      %dma_start3A_324 = tpu.memref_squeeze %dma_start3A_323 : memref<1x128xi32, #tpu.memory_space<vmem>> -> memref<128xi32, #tpu.memory_space<vmem>>
      %dma_start3A_325 = arith.constant 0 : i32
      %dma_start3A_326 = arith.constant 0 : i32
      %dma_start3A_327 = tpu.memref_slice %arg2[%dma_start3A_325, %dma_start3A_326] : memref<1000000x16xf32, #tpu.memory_space<hbm>> -> memref<1000000x16xf32, #tpu.memory_space<hbm>>
      tpu.enqueue_indirect_dma source(%dma_start3A_327 : memref<1000000x16xf32, #tpu.memory_space<hbm>>) target(%dma_start3A_321 : memref<128x16xf32, #tpu.memory_space<vmem>>) offsets(%dma_start3A_324 : memref<128xi32, #tpu.memory_space<vmem>>) semaphore(%arg12 : memref<!tpu.dma_semaphore, #tpu.memory_space<semaphore_mem>>)
      %mul3A_328 = arith.constant 25 : i32
      %mul3A_329 = arith.muli %scan3A_92, %mul3A_328 : i32
      %add3A_330 = arith.constant 18 : i32
      %add3A_331 = arith.addi %mul3A_329, %add3A_330 : i32
      %dma_start3A_332 = arith.constant 2304 : i32
      %dma_start3A_333 = arith.constant 0 : i32
      %dma_start3A_334 = tpu.memref_slice %arg10[%dma_start3A_332, %dma_start3A_333] : memref<3200x16xf32, #tpu.memory_space<vmem>> -> memref<128x16xf32, #tpu.memory_space<vmem>>
      %dma_start3A_335 = arith.constant 0 : i32
      %dma_start3A_336 = tpu.memref_slice %arg9[%add3A_331, %dma_start3A_335] : memref<200x128xi32, #tpu.memory_space<vmem>> -> memref<1x128xi32, #tpu.memory_space<vmem>>
      %dma_start3A_337 = tpu.memref_squeeze %dma_start3A_336 : memref<1x128xi32, #tpu.memory_space<vmem>> -> memref<128xi32, #tpu.memory_space<vmem>>
      %dma_start3A_338 = arith.constant 0 : i32
      %dma_start3A_339 = arith.constant 0 : i32
      %dma_start3A_340 = tpu.memref_slice %arg2[%dma_start3A_338, %dma_start3A_339] : memref<1000000x16xf32, #tpu.memory_space<hbm>> -> memref<1000000x16xf32, #tpu.memory_space<hbm>>
      tpu.enqueue_indirect_dma source(%dma_start3A_340 : memref<1000000x16xf32, #tpu.memory_space<hbm>>) target(%dma_start3A_334 : memref<128x16xf32, #tpu.memory_space<vmem>>) offsets(%dma_start3A_337 : memref<128xi32, #tpu.memory_space<vmem>>) semaphore(%arg12 : memref<!tpu.dma_semaphore, #tpu.memory_space<semaphore_mem>>)
      %mul3A_341 = arith.constant 25 : i32
      %mul3A_342 = arith.muli %scan3A_92, %mul3A_341 : i32
      %add3A_343 = arith.constant 19 : i32
      %add3A_344 = arith.addi %mul3A_342, %add3A_343 : i32
      %dma_start3A_345 = arith.constant 2432 : i32
      %dma_start3A_346 = arith.constant 0 : i32
      %dma_start3A_347 = tpu.memref_slice %arg10[%dma_start3A_345, %dma_start3A_346] : memref<3200x16xf32, #tpu.memory_space<vmem>> -> memref<128x16xf32, #tpu.memory_space<vmem>>
      %dma_start3A_348 = arith.constant 0 : i32
      %dma_start3A_349 = tpu.memref_slice %arg9[%add3A_344, %dma_start3A_348] : memref<200x128xi32, #tpu.memory_space<vmem>> -> memref<1x128xi32, #tpu.memory_space<vmem>>
      %dma_start3A_350 = tpu.memref_squeeze %dma_start3A_349 : memref<1x128xi32, #tpu.memory_space<vmem>> -> memref<128xi32, #tpu.memory_space<vmem>>
      %dma_start3A_351 = arith.constant 0 : i32
      %dma_start3A_352 = arith.constant 0 : i32
      %dma_start3A_353 = tpu.memref_slice %arg2[%dma_start3A_351, %dma_start3A_352] : memref<1000000x16xf32, #tpu.memory_space<hbm>> -> memref<1000000x16xf32, #tpu.memory_space<hbm>>
      tpu.enqueue_indirect_dma source(%dma_start3A_353 : memref<1000000x16xf32, #tpu.memory_space<hbm>>) target(%dma_start3A_347 : memref<128x16xf32, #tpu.memory_space<vmem>>) offsets(%dma_start3A_350 : memref<128xi32, #tpu.memory_space<vmem>>) semaphore(%arg12 : memref<!tpu.dma_semaphore, #tpu.memory_space<semaphore_mem>>)
      %mul3A_354 = arith.constant 25 : i32
      %mul3A_355 = arith.muli %scan3A_92, %mul3A_354 : i32
      %add3A_356 = arith.constant 20 : i32
      %add3A_357 = arith.addi %mul3A_355, %add3A_356 : i32
      %dma_start3A_358 = arith.constant 2560 : i32
      %dma_start3A_359 = arith.constant 0 : i32
      %dma_start3A_360 = tpu.memref_slice %arg10[%dma_start3A_358, %dma_start3A_359] : memref<3200x16xf32, #tpu.memory_space<vmem>> -> memref<128x16xf32, #tpu.memory_space<vmem>>
      %dma_start3A_361 = arith.constant 0 : i32
      %dma_start3A_362 = tpu.memref_slice %arg9[%add3A_357, %dma_start3A_361] : memref<200x128xi32, #tpu.memory_space<vmem>> -> memref<1x128xi32, #tpu.memory_space<vmem>>
      %dma_start3A_363 = tpu.memref_squeeze %dma_start3A_362 : memref<1x128xi32, #tpu.memory_space<vmem>> -> memref<128xi32, #tpu.memory_space<vmem>>
      %dma_start3A_364 = arith.constant 0 : i32
      %dma_start3A_365 = arith.constant 0 : i32
      %dma_start3A_366 = tpu.memref_slice %arg2[%dma_start3A_364, %dma_start3A_365] : memref<1000000x16xf32, #tpu.memory_space<hbm>> -> memref<1000000x16xf32, #tpu.memory_space<hbm>>
      tpu.enqueue_indirect_dma source(%dma_start3A_366 : memref<1000000x16xf32, #tpu.memory_space<hbm>>) target(%dma_start3A_360 : memref<128x16xf32, #tpu.memory_space<vmem>>) offsets(%dma_start3A_363 : memref<128xi32, #tpu.memory_space<vmem>>) semaphore(%arg12 : memref<!tpu.dma_semaphore, #tpu.memory_space<semaphore_mem>>)
      %mul3A_367 = arith.constant 25 : i32
      %mul3A_368 = arith.muli %scan3A_92, %mul3A_367 : i32
      %add3A_369 = arith.constant 21 : i32
      %add3A_370 = arith.addi %mul3A_368, %add3A_369 : i32
      %dma_start3A_371 = arith.constant 2688 : i32
      %dma_start3A_372 = arith.constant 0 : i32
      %dma_start3A_373 = tpu.memref_slice %arg10[%dma_start3A_371, %dma_start3A_372] : memref<3200x16xf32, #tpu.memory_space<vmem>> -> memref<128x16xf32, #tpu.memory_space<vmem>>
      %dma_start3A_374 = arith.constant 0 : i32
      %dma_start3A_375 = tpu.memref_slice %arg9[%add3A_370, %dma_start3A_374] : memref<200x128xi32, #tpu.memory_space<vmem>> -> memref<1x128xi32, #tpu.memory_space<vmem>>
      %dma_start3A_376 = tpu.memref_squeeze %dma_start3A_375 : memref<1x128xi32, #tpu.memory_space<vmem>> -> memref<128xi32, #tpu.memory_space<vmem>>
      %dma_start3A_377 = arith.constant 0 : i32
      %dma_start3A_378 = arith.constant 0 : i32
      %dma_start3A_379 = tpu.memref_slice %arg2[%dma_start3A_377, %dma_start3A_378] : memref<1000000x16xf32, #tpu.memory_space<hbm>> -> memref<1000000x16xf32, #tpu.memory_space<hbm>>
      tpu.enqueue_indirect_dma source(%dma_start3A_379 : memref<1000000x16xf32, #tpu.memory_space<hbm>>) target(%dma_start3A_373 : memref<128x16xf32, #tpu.memory_space<vmem>>) offsets(%dma_start3A_376 : memref<128xi32, #tpu.memory_space<vmem>>) semaphore(%arg12 : memref<!tpu.dma_semaphore, #tpu.memory_space<semaphore_mem>>)
      %mul3A_380 = arith.constant 25 : i32
      %mul3A_381 = arith.muli %scan3A_92, %mul3A_380 : i32
      %add3A_382 = arith.constant 22 : i32
      %add3A_383 = arith.addi %mul3A_381, %add3A_382 : i32
      %dma_start3A_384 = arith.constant 2816 : i32
      %dma_start3A_385 = arith.constant 0 : i32
      %dma_start3A_386 = tpu.memref_slice %arg10[%dma_start3A_384, %dma_start3A_385] : memref<3200x16xf32, #tpu.memory_space<vmem>> -> memref<128x16xf32, #tpu.memory_space<vmem>>
      %dma_start3A_387 = arith.constant 0 : i32
      %dma_start3A_388 = tpu.memref_slice %arg9[%add3A_383, %dma_start3A_387] : memref<200x128xi32, #tpu.memory_space<vmem>> -> memref<1x128xi32, #tpu.memory_space<vmem>>
      %dma_start3A_389 = tpu.memref_squeeze %dma_start3A_388 : memref<1x128xi32, #tpu.memory_space<vmem>> -> memref<128xi32, #tpu.memory_space<vmem>>
      %dma_start3A_390 = arith.constant 0 : i32
      %dma_start3A_391 = arith.constant 0 : i32
      %dma_start3A_392 = tpu.memref_slice %arg2[%dma_start3A_390, %dma_start3A_391] : memref<1000000x16xf32, #tpu.memory_space<hbm>> -> memref<1000000x16xf32, #tpu.memory_space<hbm>>
      tpu.enqueue_indirect_dma source(%dma_start3A_392 : memref<1000000x16xf32, #tpu.memory_space<hbm>>) target(%dma_start3A_386 : memref<128x16xf32, #tpu.memory_space<vmem>>) offsets(%dma_start3A_389 : memref<128xi32, #tpu.memory_space<vmem>>) semaphore(%arg12 : memref<!tpu.dma_semaphore, #tpu.memory_space<semaphore_mem>>)
      %mul3A_393 = arith.constant 25 : i32
      %mul3A_394 = arith.muli %scan3A_92, %mul3A_393 : i32
      %add3A_395 = arith.constant 23 : i32
      %add3A_396 = arith.addi %mul3A_394, %add3A_395 : i32
      %dma_start3A_397 = arith.constant 2944 : i32
      %dma_start3A_398 = arith.constant 0 : i32
      %dma_start3A_399 = tpu.memref_slice %arg10[%dma_start3A_397, %dma_start3A_398] : memref<3200x16xf32, #tpu.memory_space<vmem>> -> memref<128x16xf32, #tpu.memory_space<vmem>>
      %dma_start3A_400 = arith.constant 0 : i32
      %dma_start3A_401 = tpu.memref_slice %arg9[%add3A_396, %dma_start3A_400] : memref<200x128xi32, #tpu.memory_space<vmem>> -> memref<1x128xi32, #tpu.memory_space<vmem>>
      %dma_start3A_402 = tpu.memref_squeeze %dma_start3A_401 : memref<1x128xi32, #tpu.memory_space<vmem>> -> memref<128xi32, #tpu.memory_space<vmem>>
      %dma_start3A_403 = arith.constant 0 : i32
      %dma_start3A_404 = arith.constant 0 : i32
      %dma_start3A_405 = tpu.memref_slice %arg2[%dma_start3A_403, %dma_start3A_404] : memref<1000000x16xf32, #tpu.memory_space<hbm>> -> memref<1000000x16xf32, #tpu.memory_space<hbm>>
      tpu.enqueue_indirect_dma source(%dma_start3A_405 : memref<1000000x16xf32, #tpu.memory_space<hbm>>) target(%dma_start3A_399 : memref<128x16xf32, #tpu.memory_space<vmem>>) offsets(%dma_start3A_402 : memref<128xi32, #tpu.memory_space<vmem>>) semaphore(%arg12 : memref<!tpu.dma_semaphore, #tpu.memory_space<semaphore_mem>>)
      %mul3A_406 = arith.constant 25 : i32
      %mul3A_407 = arith.muli %scan3A_92, %mul3A_406 : i32
      %add3A_408 = arith.constant 24 : i32
      %add3A_409 = arith.addi %mul3A_407, %add3A_408 : i32
      %dma_start3A_410 = arith.constant 3072 : i32
      %dma_start3A_411 = arith.constant 0 : i32
      %dma_start3A_412 = tpu.memref_slice %arg10[%dma_start3A_410, %dma_start3A_411] : memref<3200x16xf32, #tpu.memory_space<vmem>> -> memref<128x16xf32, #tpu.memory_space<vmem>>
      %dma_start3A_413 = arith.constant 0 : i32
      %dma_start3A_414 = tpu.memref_slice %arg9[%add3A_409, %dma_start3A_413] : memref<200x128xi32, #tpu.memory_space<vmem>> -> memref<1x128xi32, #tpu.memory_space<vmem>>
      %dma_start3A_415 = tpu.memref_squeeze %dma_start3A_414 : memref<1x128xi32, #tpu.memory_space<vmem>> -> memref<128xi32, #tpu.memory_space<vmem>>
      %dma_start3A_416 = arith.constant 0 : i32
      %dma_start3A_417 = arith.constant 0 : i32
      %dma_start3A_418 = tpu.memref_slice %arg2[%dma_start3A_416, %dma_start3A_417] : memref<1000000x16xf32, #tpu.memory_space<hbm>> -> memref<1000000x16xf32, #tpu.memory_space<hbm>>
      tpu.enqueue_indirect_dma source(%dma_start3A_418 : memref<1000000x16xf32, #tpu.memory_space<hbm>>) target(%dma_start3A_412 : memref<128x16xf32, #tpu.memory_space<vmem>>) offsets(%dma_start3A_415 : memref<128xi32, #tpu.memory_space<vmem>>) semaphore(%arg12 : memref<!tpu.dma_semaphore, #tpu.memory_space<semaphore_mem>>)
      %dma_wait3A_419 = arith.constant 0 : i32
      %dma_wait3A_420 = arith.constant 0 : i32
      %dma_wait3A_421 = tpu.memref_slice %arg10[%dma_wait3A_419, %dma_wait3A_420] : memref<3200x16xf32, #tpu.memory_space<vmem>> -> memref<128x16xf32, #tpu.memory_space<vmem>>
      %dma_wait3A_422 = arith.constant 0 : i32
      %dma_wait3A_423 = tpu.memref_slice %arg9[%add3A_97, %dma_wait3A_422] : memref<200x128xi32, #tpu.memory_space<vmem>> -> memref<1x128xi32, #tpu.memory_space<vmem>>
      %dma_wait3A_424 = tpu.memref_squeeze %dma_wait3A_423 : memref<1x128xi32, #tpu.memory_space<vmem>> -> memref<128xi32, #tpu.memory_space<vmem>>
      %dma_wait3A_425 = arith.constant 0 : i32
      %dma_wait3A_426 = arith.constant 0 : i32
      %dma_wait3A_427 = tpu.memref_slice %arg2[%dma_wait3A_425, %dma_wait3A_426] : memref<1000000x16xf32, #tpu.memory_space<hbm>> -> memref<1000000x16xf32, #tpu.memory_space<hbm>>
      tpu.wait_indirect_dma semaphore(%arg12 : memref<!tpu.dma_semaphore, #tpu.memory_space<semaphore_mem>>) src(%dma_wait3A_427 : memref<1000000x16xf32, #tpu.memory_space<hbm>>) dst(%dma_wait3A_421 : memref<128x16xf32, #tpu.memory_space<vmem>>)
      %dma_wait3A_428 = arith.constant 128 : i32
      %dma_wait3A_429 = arith.constant 0 : i32
      %dma_wait3A_430 = tpu.memref_slice %arg10[%dma_wait3A_428, %dma_wait3A_429] : memref<3200x16xf32, #tpu.memory_space<vmem>> -> memref<128x16xf32, #tpu.memory_space<vmem>>
      %dma_wait3A_431 = arith.constant 0 : i32
      %dma_wait3A_432 = tpu.memref_slice %arg9[%add3A_110, %dma_wait3A_431] : memref<200x128xi32, #tpu.memory_space<vmem>> -> memref<1x128xi32, #tpu.memory_space<vmem>>
      %dma_wait3A_433 = tpu.memref_squeeze %dma_wait3A_432 : memref<1x128xi32, #tpu.memory_space<vmem>> -> memref<128xi32, #tpu.memory_space<vmem>>
      %dma_wait3A_434 = arith.constant 0 : i32
      %dma_wait3A_435 = arith.constant 0 : i32
      %dma_wait3A_436 = tpu.memref_slice %arg2[%dma_wait3A_434, %dma_wait3A_435] : memref<1000000x16xf32, #tpu.memory_space<hbm>> -> memref<1000000x16xf32, #tpu.memory_space<hbm>>
      tpu.wait_indirect_dma semaphore(%arg12 : memref<!tpu.dma_semaphore, #tpu.memory_space<semaphore_mem>>) src(%dma_wait3A_436 : memref<1000000x16xf32, #tpu.memory_space<hbm>>) dst(%dma_wait3A_430 : memref<128x16xf32, #tpu.memory_space<vmem>>)
      %dma_wait3A_437 = arith.constant 256 : i32
      %dma_wait3A_438 = arith.constant 0 : i32
      %dma_wait3A_439 = tpu.memref_slice %arg10[%dma_wait3A_437, %dma_wait3A_438] : memref<3200x16xf32, #tpu.memory_space<vmem>> -> memref<128x16xf32, #tpu.memory_space<vmem>>
      %dma_wait3A_440 = arith.constant 0 : i32
      %dma_wait3A_441 = tpu.memref_slice %arg9[%add3A_123, %dma_wait3A_440] : memref<200x128xi32, #tpu.memory_space<vmem>> -> memref<1x128xi32, #tpu.memory_space<vmem>>
      %dma_wait3A_442 = tpu.memref_squeeze %dma_wait3A_441 : memref<1x128xi32, #tpu.memory_space<vmem>> -> memref<128xi32, #tpu.memory_space<vmem>>
      %dma_wait3A_443 = arith.constant 0 : i32
      %dma_wait3A_444 = arith.constant 0 : i32
      %dma_wait3A_445 = tpu.memref_slice %arg2[%dma_wait3A_443, %dma_wait3A_444] : memref<1000000x16xf32, #tpu.memory_space<hbm>> -> memref<1000000x16xf32, #tpu.memory_space<hbm>>
      tpu.wait_indirect_dma semaphore(%arg12 : memref<!tpu.dma_semaphore, #tpu.memory_space<semaphore_mem>>) src(%dma_wait3A_445 : memref<1000000x16xf32, #tpu.memory_space<hbm>>) dst(%dma_wait3A_439 : memref<128x16xf32, #tpu.memory_space<vmem>>)
      %dma_wait3A_446 = arith.constant 384 : i32
      %dma_wait3A_447 = arith.constant 0 : i32
      %dma_wait3A_448 = tpu.memref_slice %arg10[%dma_wait3A_446, %dma_wait3A_447] : memref<3200x16xf32, #tpu.memory_space<vmem>> -> memref<128x16xf32, #tpu.memory_space<vmem>>
      %dma_wait3A_449 = arith.constant 0 : i32
      %dma_wait3A_450 = tpu.memref_slice %arg9[%add3A_136, %dma_wait3A_449] : memref<200x128xi32, #tpu.memory_space<vmem>> -> memref<1x128xi32, #tpu.memory_space<vmem>>
      %dma_wait3A_451 = tpu.memref_squeeze %dma_wait3A_450 : memref<1x128xi32, #tpu.memory_space<vmem>> -> memref<128xi32, #tpu.memory_space<vmem>>
      %dma_wait3A_452 = arith.constant 0 : i32
      %dma_wait3A_453 = arith.constant 0 : i32
      %dma_wait3A_454 = tpu.memref_slice %arg2[%dma_wait3A_452, %dma_wait3A_453] : memref<1000000x16xf32, #tpu.memory_space<hbm>> -> memref<1000000x16xf32, #tpu.memory_space<hbm>>
      tpu.wait_indirect_dma semaphore(%arg12 : memref<!tpu.dma_semaphore, #tpu.memory_space<semaphore_mem>>) src(%dma_wait3A_454 : memref<1000000x16xf32, #tpu.memory_space<hbm>>) dst(%dma_wait3A_448 : memref<128x16xf32, #tpu.memory_space<vmem>>)
      %dma_wait3A_455 = arith.constant 512 : i32
      %dma_wait3A_456 = arith.constant 0 : i32
      %dma_wait3A_457 = tpu.memref_slice %arg10[%dma_wait3A_455, %dma_wait3A_456] : memref<3200x16xf32, #tpu.memory_space<vmem>> -> memref<128x16xf32, #tpu.memory_space<vmem>>
      %dma_wait3A_458 = arith.constant 0 : i32
      %dma_wait3A_459 = tpu.memref_slice %arg9[%add3A_149, %dma_wait3A_458] : memref<200x128xi32, #tpu.memory_space<vmem>> -> memref<1x128xi32, #tpu.memory_space<vmem>>
      %dma_wait3A_460 = tpu.memref_squeeze %dma_wait3A_459 : memref<1x128xi32, #tpu.memory_space<vmem>> -> memref<128xi32, #tpu.memory_space<vmem>>
      %dma_wait3A_461 = arith.constant 0 : i32
      %dma_wait3A_462 = arith.constant 0 : i32
      %dma_wait3A_463 = tpu.memref_slice %arg2[%dma_wait3A_461, %dma_wait3A_462] : memref<1000000x16xf32, #tpu.memory_space<hbm>> -> memref<1000000x16xf32, #tpu.memory_space<hbm>>
      tpu.wait_indirect_dma semaphore(%arg12 : memref<!tpu.dma_semaphore, #tpu.memory_space<semaphore_mem>>) src(%dma_wait3A_463 : memref<1000000x16xf32, #tpu.memory_space<hbm>>) dst(%dma_wait3A_457 : memref<128x16xf32, #tpu.memory_space<vmem>>)
      %dma_wait3A_464 = arith.constant 640 : i32
      %dma_wait3A_465 = arith.constant 0 : i32
      %dma_wait3A_466 = tpu.memref_slice %arg10[%dma_wait3A_464, %dma_wait3A_465] : memref<3200x16xf32, #tpu.memory_space<vmem>> -> memref<128x16xf32, #tpu.memory_space<vmem>>
      %dma_wait3A_467 = arith.constant 0 : i32
      %dma_wait3A_468 = tpu.memref_slice %arg9[%add3A_162, %dma_wait3A_467] : memref<200x128xi32, #tpu.memory_space<vmem>> -> memref<1x128xi32, #tpu.memory_space<vmem>>
      %dma_wait3A_469 = tpu.memref_squeeze %dma_wait3A_468 : memref<1x128xi32, #tpu.memory_space<vmem>> -> memref<128xi32, #tpu.memory_space<vmem>>
      %dma_wait3A_470 = arith.constant 0 : i32
      %dma_wait3A_471 = arith.constant 0 : i32
      %dma_wait3A_472 = tpu.memref_slice %arg2[%dma_wait3A_470, %dma_wait3A_471] : memref<1000000x16xf32, #tpu.memory_space<hbm>> -> memref<1000000x16xf32, #tpu.memory_space<hbm>>
      tpu.wait_indirect_dma semaphore(%arg12 : memref<!tpu.dma_semaphore, #tpu.memory_space<semaphore_mem>>) src(%dma_wait3A_472 : memref<1000000x16xf32, #tpu.memory_space<hbm>>) dst(%dma_wait3A_466 : memref<128x16xf32, #tpu.memory_space<vmem>>)
      %dma_wait3A_473 = arith.constant 768 : i32
      %dma_wait3A_474 = arith.constant 0 : i32
      %dma_wait3A_475 = tpu.memref_slice %arg10[%dma_wait3A_473, %dma_wait3A_474] : memref<3200x16xf32, #tpu.memory_space<vmem>> -> memref<128x16xf32, #tpu.memory_space<vmem>>
      %dma_wait3A_476 = arith.constant 0 : i32
      %dma_wait3A_477 = tpu.memref_slice %arg9[%add3A_175, %dma_wait3A_476] : memref<200x128xi32, #tpu.memory_space<vmem>> -> memref<1x128xi32, #tpu.memory_space<vmem>>
      %dma_wait3A_478 = tpu.memref_squeeze %dma_wait3A_477 : memref<1x128xi32, #tpu.memory_space<vmem>> -> memref<128xi32, #tpu.memory_space<vmem>>
      %dma_wait3A_479 = arith.constant 0 : i32
      %dma_wait3A_480 = arith.constant 0 : i32
      %dma_wait3A_481 = tpu.memref_slice %arg2[%dma_wait3A_479, %dma_wait3A_480] : memref<1000000x16xf32, #tpu.memory_space<hbm>> -> memref<1000000x16xf32, #tpu.memory_space<hbm>>
      tpu.wait_indirect_dma semaphore(%arg12 : memref<!tpu.dma_semaphore, #tpu.memory_space<semaphore_mem>>) src(%dma_wait3A_481 : memref<1000000x16xf32, #tpu.memory_space<hbm>>) dst(%dma_wait3A_475 : memref<128x16xf32, #tpu.memory_space<vmem>>)
      %dma_wait3A_482 = arith.constant 896 : i32
      %dma_wait3A_483 = arith.constant 0 : i32
      %dma_wait3A_484 = tpu.memref_slice %arg10[%dma_wait3A_482, %dma_wait3A_483] : memref<3200x16xf32, #tpu.memory_space<vmem>> -> memref<128x16xf32, #tpu.memory_space<vmem>>
      %dma_wait3A_485 = arith.constant 0 : i32
      %dma_wait3A_486 = tpu.memref_slice %arg9[%add3A_188, %dma_wait3A_485] : memref<200x128xi32, #tpu.memory_space<vmem>> -> memref<1x128xi32, #tpu.memory_space<vmem>>
      %dma_wait3A_487 = tpu.memref_squeeze %dma_wait3A_486 : memref<1x128xi32, #tpu.memory_space<vmem>> -> memref<128xi32, #tpu.memory_space<vmem>>
      %dma_wait3A_488 = arith.constant 0 : i32
      %dma_wait3A_489 = arith.constant 0 : i32
      %dma_wait3A_490 = tpu.memref_slice %arg2[%dma_wait3A_488, %dma_wait3A_489] : memref<1000000x16xf32, #tpu.memory_space<hbm>> -> memref<1000000x16xf32, #tpu.memory_space<hbm>>
      tpu.wait_indirect_dma semaphore(%arg12 : memref<!tpu.dma_semaphore, #tpu.memory_space<semaphore_mem>>) src(%dma_wait3A_490 : memref<1000000x16xf32, #tpu.memory_space<hbm>>) dst(%dma_wait3A_484 : memref<128x16xf32, #tpu.memory_space<vmem>>)
      %dma_wait3A_491 = arith.constant 1024 : i32
      %dma_wait3A_492 = arith.constant 0 : i32
      %dma_wait3A_493 = tpu.memref_slice %arg10[%dma_wait3A_491, %dma_wait3A_492] : memref<3200x16xf32, #tpu.memory_space<vmem>> -> memref<128x16xf32, #tpu.memory_space<vmem>>
      %dma_wait3A_494 = arith.constant 0 : i32
      %dma_wait3A_495 = tpu.memref_slice %arg9[%add3A_201, %dma_wait3A_494] : memref<200x128xi32, #tpu.memory_space<vmem>> -> memref<1x128xi32, #tpu.memory_space<vmem>>
      %dma_wait3A_496 = tpu.memref_squeeze %dma_wait3A_495 : memref<1x128xi32, #tpu.memory_space<vmem>> -> memref<128xi32, #tpu.memory_space<vmem>>
      %dma_wait3A_497 = arith.constant 0 : i32
      %dma_wait3A_498 = arith.constant 0 : i32
      %dma_wait3A_499 = tpu.memref_slice %arg2[%dma_wait3A_497, %dma_wait3A_498] : memref<1000000x16xf32, #tpu.memory_space<hbm>> -> memref<1000000x16xf32, #tpu.memory_space<hbm>>
      tpu.wait_indirect_dma semaphore(%arg12 : memref<!tpu.dma_semaphore, #tpu.memory_space<semaphore_mem>>) src(%dma_wait3A_499 : memref<1000000x16xf32, #tpu.memory_space<hbm>>) dst(%dma_wait3A_493 : memref<128x16xf32, #tpu.memory_space<vmem>>)
      %dma_wait3A_500 = arith.constant 1152 : i32
      %dma_wait3A_501 = arith.constant 0 : i32
      %dma_wait3A_502 = tpu.memref_slice %arg10[%dma_wait3A_500, %dma_wait3A_501] : memref<3200x16xf32, #tpu.memory_space<vmem>> -> memref<128x16xf32, #tpu.memory_space<vmem>>
      %dma_wait3A_503 = arith.constant 0 : i32
      %dma_wait3A_504 = tpu.memref_slice %arg9[%add3A_214, %dma_wait3A_503] : memref<200x128xi32, #tpu.memory_space<vmem>> -> memref<1x128xi32, #tpu.memory_space<vmem>>
      %dma_wait3A_505 = tpu.memref_squeeze %dma_wait3A_504 : memref<1x128xi32, #tpu.memory_space<vmem>> -> memref<128xi32, #tpu.memory_space<vmem>>
      %dma_wait3A_506 = arith.constant 0 : i32
      %dma_wait3A_507 = arith.constant 0 : i32
      %dma_wait3A_508 = tpu.memref_slice %arg2[%dma_wait3A_506, %dma_wait3A_507] : memref<1000000x16xf32, #tpu.memory_space<hbm>> -> memref<1000000x16xf32, #tpu.memory_space<hbm>>
      tpu.wait_indirect_dma semaphore(%arg12 : memref<!tpu.dma_semaphore, #tpu.memory_space<semaphore_mem>>) src(%dma_wait3A_508 : memref<1000000x16xf32, #tpu.memory_space<hbm>>) dst(%dma_wait3A_502 : memref<128x16xf32, #tpu.memory_space<vmem>>)
      %dma_wait3A_509 = arith.constant 1280 : i32
      %dma_wait3A_510 = arith.constant 0 : i32
      %dma_wait3A_511 = tpu.memref_slice %arg10[%dma_wait3A_509, %dma_wait3A_510] : memref<3200x16xf32, #tpu.memory_space<vmem>> -> memref<128x16xf32, #tpu.memory_space<vmem>>
      %dma_wait3A_512 = arith.constant 0 : i32
      %dma_wait3A_513 = tpu.memref_slice %arg9[%add3A_227, %dma_wait3A_512] : memref<200x128xi32, #tpu.memory_space<vmem>> -> memref<1x128xi32, #tpu.memory_space<vmem>>
      %dma_wait3A_514 = tpu.memref_squeeze %dma_wait3A_513 : memref<1x128xi32, #tpu.memory_space<vmem>> -> memref<128xi32, #tpu.memory_space<vmem>>
      %dma_wait3A_515 = arith.constant 0 : i32
      %dma_wait3A_516 = arith.constant 0 : i32
      %dma_wait3A_517 = tpu.memref_slice %arg2[%dma_wait3A_515, %dma_wait3A_516] : memref<1000000x16xf32, #tpu.memory_space<hbm>> -> memref<1000000x16xf32, #tpu.memory_space<hbm>>
      tpu.wait_indirect_dma semaphore(%arg12 : memref<!tpu.dma_semaphore, #tpu.memory_space<semaphore_mem>>) src(%dma_wait3A_517 : memref<1000000x16xf32, #tpu.memory_space<hbm>>) dst(%dma_wait3A_511 : memref<128x16xf32, #tpu.memory_space<vmem>>)
      %dma_wait3A_518 = arith.constant 1408 : i32
      %dma_wait3A_519 = arith.constant 0 : i32
      %dma_wait3A_520 = tpu.memref_slice %arg10[%dma_wait3A_518, %dma_wait3A_519] : memref<3200x16xf32, #tpu.memory_space<vmem>> -> memref<128x16xf32, #tpu.memory_space<vmem>>
      %dma_wait3A_521 = arith.constant 0 : i32
      %dma_wait3A_522 = tpu.memref_slice %arg9[%add3A_240, %dma_wait3A_521] : memref<200x128xi32, #tpu.memory_space<vmem>> -> memref<1x128xi32, #tpu.memory_space<vmem>>
      %dma_wait3A_523 = tpu.memref_squeeze %dma_wait3A_522 : memref<1x128xi32, #tpu.memory_space<vmem>> -> memref<128xi32, #tpu.memory_space<vmem>>
      %dma_wait3A_524 = arith.constant 0 : i32
      %dma_wait3A_525 = arith.constant 0 : i32
      %dma_wait3A_526 = tpu.memref_slice %arg2[%dma_wait3A_524, %dma_wait3A_525] : memref<1000000x16xf32, #tpu.memory_space<hbm>> -> memref<1000000x16xf32, #tpu.memory_space<hbm>>
      tpu.wait_indirect_dma semaphore(%arg12 : memref<!tpu.dma_semaphore, #tpu.memory_space<semaphore_mem>>) src(%dma_wait3A_526 : memref<1000000x16xf32, #tpu.memory_space<hbm>>) dst(%dma_wait3A_520 : memref<128x16xf32, #tpu.memory_space<vmem>>)
      %dma_wait3A_527 = arith.constant 1536 : i32
      %dma_wait3A_528 = arith.constant 0 : i32
      %dma_wait3A_529 = tpu.memref_slice %arg10[%dma_wait3A_527, %dma_wait3A_528] : memref<3200x16xf32, #tpu.memory_space<vmem>> -> memref<128x16xf32, #tpu.memory_space<vmem>>
      %dma_wait3A_530 = arith.constant 0 : i32
      %dma_wait3A_531 = tpu.memref_slice %arg9[%add3A_253, %dma_wait3A_530] : memref<200x128xi32, #tpu.memory_space<vmem>> -> memref<1x128xi32, #tpu.memory_space<vmem>>
      %dma_wait3A_532 = tpu.memref_squeeze %dma_wait3A_531 : memref<1x128xi32, #tpu.memory_space<vmem>> -> memref<128xi32, #tpu.memory_space<vmem>>
      %dma_wait3A_533 = arith.constant 0 : i32
      %dma_wait3A_534 = arith.constant 0 : i32
      %dma_wait3A_535 = tpu.memref_slice %arg2[%dma_wait3A_533, %dma_wait3A_534] : memref<1000000x16xf32, #tpu.memory_space<hbm>> -> memref<1000000x16xf32, #tpu.memory_space<hbm>>
      tpu.wait_indirect_dma semaphore(%arg12 : memref<!tpu.dma_semaphore, #tpu.memory_space<semaphore_mem>>) src(%dma_wait3A_535 : memref<1000000x16xf32, #tpu.memory_space<hbm>>) dst(%dma_wait3A_529 : memref<128x16xf32, #tpu.memory_space<vmem>>)
      %dma_wait3A_536 = arith.constant 1664 : i32
      %dma_wait3A_537 = arith.constant 0 : i32
      %dma_wait3A_538 = tpu.memref_slice %arg10[%dma_wait3A_536, %dma_wait3A_537] : memref<3200x16xf32, #tpu.memory_space<vmem>> -> memref<128x16xf32, #tpu.memory_space<vmem>>
      %dma_wait3A_539 = arith.constant 0 : i32
      %dma_wait3A_540 = tpu.memref_slice %arg9[%add3A_266, %dma_wait3A_539] : memref<200x128xi32, #tpu.memory_space<vmem>> -> memref<1x128xi32, #tpu.memory_space<vmem>>
      %dma_wait3A_541 = tpu.memref_squeeze %dma_wait3A_540 : memref<1x128xi32, #tpu.memory_space<vmem>> -> memref<128xi32, #tpu.memory_space<vmem>>
      %dma_wait3A_542 = arith.constant 0 : i32
      %dma_wait3A_543 = arith.constant 0 : i32
      %dma_wait3A_544 = tpu.memref_slice %arg2[%dma_wait3A_542, %dma_wait3A_543] : memref<1000000x16xf32, #tpu.memory_space<hbm>> -> memref<1000000x16xf32, #tpu.memory_space<hbm>>
      tpu.wait_indirect_dma semaphore(%arg12 : memref<!tpu.dma_semaphore, #tpu.memory_space<semaphore_mem>>) src(%dma_wait3A_544 : memref<1000000x16xf32, #tpu.memory_space<hbm>>) dst(%dma_wait3A_538 : memref<128x16xf32, #tpu.memory_space<vmem>>)
      %dma_wait3A_545 = arith.constant 1792 : i32
      %dma_wait3A_546 = arith.constant 0 : i32
      %dma_wait3A_547 = tpu.memref_slice %arg10[%dma_wait3A_545, %dma_wait3A_546] : memref<3200x16xf32, #tpu.memory_space<vmem>> -> memref<128x16xf32, #tpu.memory_space<vmem>>
      %dma_wait3A_548 = arith.constant 0 : i32
      %dma_wait3A_549 = tpu.memref_slice %arg9[%add3A_279, %dma_wait3A_548] : memref<200x128xi32, #tpu.memory_space<vmem>> -> memref<1x128xi32, #tpu.memory_space<vmem>>
      %dma_wait3A_550 = tpu.memref_squeeze %dma_wait3A_549 : memref<1x128xi32, #tpu.memory_space<vmem>> -> memref<128xi32, #tpu.memory_space<vmem>>
      %dma_wait3A_551 = arith.constant 0 : i32
      %dma_wait3A_552 = arith.constant 0 : i32
      %dma_wait3A_553 = tpu.memref_slice %arg2[%dma_wait3A_551, %dma_wait3A_552] : memref<1000000x16xf32, #tpu.memory_space<hbm>> -> memref<1000000x16xf32, #tpu.memory_space<hbm>>
      tpu.wait_indirect_dma semaphore(%arg12 : memref<!tpu.dma_semaphore, #tpu.memory_space<semaphore_mem>>) src(%dma_wait3A_553 : memref<1000000x16xf32, #tpu.memory_space<hbm>>) dst(%dma_wait3A_547 : memref<128x16xf32, #tpu.memory_space<vmem>>)
      %dma_wait3A_554 = arith.constant 1920 : i32
      %dma_wait3A_555 = arith.constant 0 : i32
      %dma_wait3A_556 = tpu.memref_slice %arg10[%dma_wait3A_554, %dma_wait3A_555] : memref<3200x16xf32, #tpu.memory_space<vmem>> -> memref<128x16xf32, #tpu.memory_space<vmem>>
      %dma_wait3A_557 = arith.constant 0 : i32
      %dma_wait3A_558 = tpu.memref_slice %arg9[%add3A_292, %dma_wait3A_557] : memref<200x128xi32, #tpu.memory_space<vmem>> -> memref<1x128xi32, #tpu.memory_space<vmem>>
      %dma_wait3A_559 = tpu.memref_squeeze %dma_wait3A_558 : memref<1x128xi32, #tpu.memory_space<vmem>> -> memref<128xi32, #tpu.memory_space<vmem>>
      %dma_wait3A_560 = arith.constant 0 : i32
      %dma_wait3A_561 = arith.constant 0 : i32
      %dma_wait3A_562 = tpu.memref_slice %arg2[%dma_wait3A_560, %dma_wait3A_561] : memref<1000000x16xf32, #tpu.memory_space<hbm>> -> memref<1000000x16xf32, #tpu.memory_space<hbm>>
      tpu.wait_indirect_dma semaphore(%arg12 : memref<!tpu.dma_semaphore, #tpu.memory_space<semaphore_mem>>) src(%dma_wait3A_562 : memref<1000000x16xf32, #tpu.memory_space<hbm>>) dst(%dma_wait3A_556 : memref<128x16xf32, #tpu.memory_space<vmem>>)
      %dma_wait3A_563 = arith.constant 2048 : i32
      %dma_wait3A_564 = arith.constant 0 : i32
      %dma_wait3A_565 = tpu.memref_slice %arg10[%dma_wait3A_563, %dma_wait3A_564] : memref<3200x16xf32, #tpu.memory_space<vmem>> -> memref<128x16xf32, #tpu.memory_space<vmem>>
      %dma_wait3A_566 = arith.constant 0 : i32
      %dma_wait3A_567 = tpu.memref_slice %arg9[%add3A_305, %dma_wait3A_566] : memref<200x128xi32, #tpu.memory_space<vmem>> -> memref<1x128xi32, #tpu.memory_space<vmem>>
      %dma_wait3A_568 = tpu.memref_squeeze %dma_wait3A_567 : memref<1x128xi32, #tpu.memory_space<vmem>> -> memref<128xi32, #tpu.memory_space<vmem>>
      %dma_wait3A_569 = arith.constant 0 : i32
      %dma_wait3A_570 = arith.constant 0 : i32
      %dma_wait3A_571 = tpu.memref_slice %arg2[%dma_wait3A_569, %dma_wait3A_570] : memref<1000000x16xf32, #tpu.memory_space<hbm>> -> memref<1000000x16xf32, #tpu.memory_space<hbm>>
      tpu.wait_indirect_dma semaphore(%arg12 : memref<!tpu.dma_semaphore, #tpu.memory_space<semaphore_mem>>) src(%dma_wait3A_571 : memref<1000000x16xf32, #tpu.memory_space<hbm>>) dst(%dma_wait3A_565 : memref<128x16xf32, #tpu.memory_space<vmem>>)
      %dma_wait3A_572 = arith.constant 2176 : i32
      %dma_wait3A_573 = arith.constant 0 : i32
      %dma_wait3A_574 = tpu.memref_slice %arg10[%dma_wait3A_572, %dma_wait3A_573] : memref<3200x16xf32, #tpu.memory_space<vmem>> -> memref<128x16xf32, #tpu.memory_space<vmem>>
      %dma_wait3A_575 = arith.constant 0 : i32
      %dma_wait3A_576 = tpu.memref_slice %arg9[%add3A_318, %dma_wait3A_575] : memref<200x128xi32, #tpu.memory_space<vmem>> -> memref<1x128xi32, #tpu.memory_space<vmem>>
      %dma_wait3A_577 = tpu.memref_squeeze %dma_wait3A_576 : memref<1x128xi32, #tpu.memory_space<vmem>> -> memref<128xi32, #tpu.memory_space<vmem>>
      %dma_wait3A_578 = arith.constant 0 : i32
      %dma_wait3A_579 = arith.constant 0 : i32
      %dma_wait3A_580 = tpu.memref_slice %arg2[%dma_wait3A_578, %dma_wait3A_579] : memref<1000000x16xf32, #tpu.memory_space<hbm>> -> memref<1000000x16xf32, #tpu.memory_space<hbm>>
      tpu.wait_indirect_dma semaphore(%arg12 : memref<!tpu.dma_semaphore, #tpu.memory_space<semaphore_mem>>) src(%dma_wait3A_580 : memref<1000000x16xf32, #tpu.memory_space<hbm>>) dst(%dma_wait3A_574 : memref<128x16xf32, #tpu.memory_space<vmem>>)
      %dma_wait3A_581 = arith.constant 2304 : i32
      %dma_wait3A_582 = arith.constant 0 : i32
      %dma_wait3A_583 = tpu.memref_slice %arg10[%dma_wait3A_581, %dma_wait3A_582] : memref<3200x16xf32, #tpu.memory_space<vmem>> -> memref<128x16xf32, #tpu.memory_space<vmem>>
      %dma_wait3A_584 = arith.constant 0 : i32
      %dma_wait3A_585 = tpu.memref_slice %arg9[%add3A_331, %dma_wait3A_584] : memref<200x128xi32, #tpu.memory_space<vmem>> -> memref<1x128xi32, #tpu.memory_space<vmem>>
      %dma_wait3A_586 = tpu.memref_squeeze %dma_wait3A_585 : memref<1x128xi32, #tpu.memory_space<vmem>> -> memref<128xi32, #tpu.memory_space<vmem>>
      %dma_wait3A_587 = arith.constant 0 : i32
      %dma_wait3A_588 = arith.constant 0 : i32
      %dma_wait3A_589 = tpu.memref_slice %arg2[%dma_wait3A_587, %dma_wait3A_588] : memref<1000000x16xf32, #tpu.memory_space<hbm>> -> memref<1000000x16xf32, #tpu.memory_space<hbm>>
      tpu.wait_indirect_dma semaphore(%arg12 : memref<!tpu.dma_semaphore, #tpu.memory_space<semaphore_mem>>) src(%dma_wait3A_589 : memref<1000000x16xf32, #tpu.memory_space<hbm>>) dst(%dma_wait3A_583 : memref<128x16xf32, #tpu.memory_space<vmem>>)
      %dma_wait3A_590 = arith.constant 2432 : i32
      %dma_wait3A_591 = arith.constant 0 : i32
      %dma_wait3A_592 = tpu.memref_slice %arg10[%dma_wait3A_590, %dma_wait3A_591] : memref<3200x16xf32, #tpu.memory_space<vmem>> -> memref<128x16xf32, #tpu.memory_space<vmem>>
      %dma_wait3A_593 = arith.constant 0 : i32
      %dma_wait3A_594 = tpu.memref_slice %arg9[%add3A_344, %dma_wait3A_593] : memref<200x128xi32, #tpu.memory_space<vmem>> -> memref<1x128xi32, #tpu.memory_space<vmem>>
      %dma_wait3A_595 = tpu.memref_squeeze %dma_wait3A_594 : memref<1x128xi32, #tpu.memory_space<vmem>> -> memref<128xi32, #tpu.memory_space<vmem>>
      %dma_wait3A_596 = arith.constant 0 : i32
      %dma_wait3A_597 = arith.constant 0 : i32
      %dma_wait3A_598 = tpu.memref_slice %arg2[%dma_wait3A_596, %dma_wait3A_597] : memref<1000000x16xf32, #tpu.memory_space<hbm>> -> memref<1000000x16xf32, #tpu.memory_space<hbm>>
      tpu.wait_indirect_dma semaphore(%arg12 : memref<!tpu.dma_semaphore, #tpu.memory_space<semaphore_mem>>) src(%dma_wait3A_598 : memref<1000000x16xf32, #tpu.memory_space<hbm>>) dst(%dma_wait3A_592 : memref<128x16xf32, #tpu.memory_space<vmem>>)
      %dma_wait3A_599 = arith.constant 2560 : i32
      %dma_wait3A_600 = arith.constant 0 : i32
      %dma_wait3A_601 = tpu.memref_slice %arg10[%dma_wait3A_599, %dma_wait3A_600] : memref<3200x16xf32, #tpu.memory_space<vmem>> -> memref<128x16xf32, #tpu.memory_space<vmem>>
      %dma_wait3A_602 = arith.constant 0 : i32
      %dma_wait3A_603 = tpu.memref_slice %arg9[%add3A_357, %dma_wait3A_602] : memref<200x128xi32, #tpu.memory_space<vmem>> -> memref<1x128xi32, #tpu.memory_space<vmem>>
      %dma_wait3A_604 = tpu.memref_squeeze %dma_wait3A_603 : memref<1x128xi32, #tpu.memory_space<vmem>> -> memref<128xi32, #tpu.memory_space<vmem>>
      %dma_wait3A_605 = arith.constant 0 : i32
      %dma_wait3A_606 = arith.constant 0 : i32
      %dma_wait3A_607 = tpu.memref_slice %arg2[%dma_wait3A_605, %dma_wait3A_606] : memref<1000000x16xf32, #tpu.memory_space<hbm>> -> memref<1000000x16xf32, #tpu.memory_space<hbm>>
      tpu.wait_indirect_dma semaphore(%arg12 : memref<!tpu.dma_semaphore, #tpu.memory_space<semaphore_mem>>) src(%dma_wait3A_607 : memref<1000000x16xf32, #tpu.memory_space<hbm>>) dst(%dma_wait3A_601 : memref<128x16xf32, #tpu.memory_space<vmem>>)
      %dma_wait3A_608 = arith.constant 2688 : i32
      %dma_wait3A_609 = arith.constant 0 : i32
      %dma_wait3A_610 = tpu.memref_slice %arg10[%dma_wait3A_608, %dma_wait3A_609] : memref<3200x16xf32, #tpu.memory_space<vmem>> -> memref<128x16xf32, #tpu.memory_space<vmem>>
      %dma_wait3A_611 = arith.constant 0 : i32
      %dma_wait3A_612 = tpu.memref_slice %arg9[%add3A_370, %dma_wait3A_611] : memref<200x128xi32, #tpu.memory_space<vmem>> -> memref<1x128xi32, #tpu.memory_space<vmem>>
      %dma_wait3A_613 = tpu.memref_squeeze %dma_wait3A_612 : memref<1x128xi32, #tpu.memory_space<vmem>> -> memref<128xi32, #tpu.memory_space<vmem>>
      %dma_wait3A_614 = arith.constant 0 : i32
      %dma_wait3A_615 = arith.constant 0 : i32
      %dma_wait3A_616 = tpu.memref_slice %arg2[%dma_wait3A_614, %dma_wait3A_615] : memref<1000000x16xf32, #tpu.memory_space<hbm>> -> memref<1000000x16xf32, #tpu.memory_space<hbm>>
      tpu.wait_indirect_dma semaphore(%arg12 : memref<!tpu.dma_semaphore, #tpu.memory_space<semaphore_mem>>) src(%dma_wait3A_616 : memref<1000000x16xf32, #tpu.memory_space<hbm>>) dst(%dma_wait3A_610 : memref<128x16xf32, #tpu.memory_space<vmem>>)
      %dma_wait3A_617 = arith.constant 2816 : i32
      %dma_wait3A_618 = arith.constant 0 : i32
      %dma_wait3A_619 = tpu.memref_slice %arg10[%dma_wait3A_617, %dma_wait3A_618] : memref<3200x16xf32, #tpu.memory_space<vmem>> -> memref<128x16xf32, #tpu.memory_space<vmem>>
      %dma_wait3A_620 = arith.constant 0 : i32
      %dma_wait3A_621 = tpu.memref_slice %arg9[%add3A_383, %dma_wait3A_620] : memref<200x128xi32, #tpu.memory_space<vmem>> -> memref<1x128xi32, #tpu.memory_space<vmem>>
      %dma_wait3A_622 = tpu.memref_squeeze %dma_wait3A_621 : memref<1x128xi32, #tpu.memory_space<vmem>> -> memref<128xi32, #tpu.memory_space<vmem>>
      %dma_wait3A_623 = arith.constant 0 : i32
      %dma_wait3A_624 = arith.constant 0 : i32
      %dma_wait3A_625 = tpu.memref_slice %arg2[%dma_wait3A_623, %dma_wait3A_624] : memref<1000000x16xf32, #tpu.memory_space<hbm>> -> memref<1000000x16xf32, #tpu.memory_space<hbm>>
      tpu.wait_indirect_dma semaphore(%arg12 : memref<!tpu.dma_semaphore, #tpu.memory_space<semaphore_mem>>) src(%dma_wait3A_625 : memref<1000000x16xf32, #tpu.memory_space<hbm>>) dst(%dma_wait3A_619 : memref<128x16xf32, #tpu.memory_space<vmem>>)
      %dma_wait3A_626 = arith.constant 2944 : i32
      %dma_wait3A_627 = arith.constant 0 : i32
      %dma_wait3A_628 = tpu.memref_slice %arg10[%dma_wait3A_626, %dma_wait3A_627] : memref<3200x16xf32, #tpu.memory_space<vmem>> -> memref<128x16xf32, #tpu.memory_space<vmem>>
      %dma_wait3A_629 = arith.constant 0 : i32
      %dma_wait3A_630 = tpu.memref_slice %arg9[%add3A_396, %dma_wait3A_629] : memref<200x128xi32, #tpu.memory_space<vmem>> -> memref<1x128xi32, #tpu.memory_space<vmem>>
      %dma_wait3A_631 = tpu.memref_squeeze %dma_wait3A_630 : memref<1x128xi32, #tpu.memory_space<vmem>> -> memref<128xi32, #tpu.memory_space<vmem>>
      %dma_wait3A_632 = arith.constant 0 : i32
      %dma_wait3A_633 = arith.constant 0 : i32
      %dma_wait3A_634 = tpu.memref_slice %arg2[%dma_wait3A_632, %dma_wait3A_633] : memref<1000000x16xf32, #tpu.memory_space<hbm>> -> memref<1000000x16xf32, #tpu.memory_space<hbm>>
      tpu.wait_indirect_dma semaphore(%arg12 : memref<!tpu.dma_semaphore, #tpu.memory_space<semaphore_mem>>) src(%dma_wait3A_634 : memref<1000000x16xf32, #tpu.memory_space<hbm>>) dst(%dma_wait3A_628 : memref<128x16xf32, #tpu.memory_space<vmem>>)
      %dma_wait3A_635 = arith.constant 3072 : i32
      %dma_wait3A_636 = arith.constant 0 : i32
      %dma_wait3A_637 = tpu.memref_slice %arg10[%dma_wait3A_635, %dma_wait3A_636] : memref<3200x16xf32, #tpu.memory_space<vmem>> -> memref<128x16xf32, #tpu.memory_space<vmem>>
      %dma_wait3A_638 = arith.constant 0 : i32
      %dma_wait3A_639 = tpu.memref_slice %arg9[%add3A_409, %dma_wait3A_638] : memref<200x128xi32, #tpu.memory_space<vmem>> -> memref<1x128xi32, #tpu.memory_space<vmem>>
      %dma_wait3A_640 = tpu.memref_squeeze %dma_wait3A_639 : memref<1x128xi32, #tpu.memory_space<vmem>> -> memref<128xi32, #tpu.memory_space<vmem>>
      %dma_wait3A_641 = arith.constant 0 : i32
      %dma_wait3A_642 = arith.constant 0 : i32
      %dma_wait3A_643 = tpu.memref_slice %arg2[%dma_wait3A_641, %dma_wait3A_642] : memref<1000000x16xf32, #tpu.memory_space<hbm>> -> memref<1000000x16xf32, #tpu.memory_space<hbm>>
      tpu.wait_indirect_dma semaphore(%arg12 : memref<!tpu.dma_semaphore, #tpu.memory_space<semaphore_mem>>) src(%dma_wait3A_643 : memref<1000000x16xf32, #tpu.memory_space<hbm>>) dst(%dma_wait3A_637 : memref<128x16xf32, #tpu.memory_space<vmem>>)
      %scan3A_644 = arith.constant 0 : i32
      %scan3A_645 = arith.constant 64 : i32
      %scan3A_646 = arith.addi %scan3A_644, %scan3A_645 : i32
      %scan3A_647 = arith.constant 1 : i32
      %scan3A_648 = scf.for %scan3A_650 = %scan3A_644 to %scan3A_646 step %scan3A_647 iter_args(%scan3A_651 = %scan3A_93) -> (vector<16xf32>)  : i32 {
        %mul3A_652 = arith.constant 50 : i32
        %mul3A_653 = arith.muli %scan3A_650, %mul3A_652 : i32
        %get3A = arith.index_cast %mul3A_653 : i32 to index
        %get3A_654 = arith.constant 0 : index
        %get3A_655 = tpu.vector_load %arg10[%get3A, %get3A_654] {strides = array<i32>} : memref<3200x16xf32, #tpu.memory_space<vmem>>, vector<1x16xf32>,
        %get3A_656 = vector.shape_cast %get3A_655 : vector<1x16xf32> to vector<16xf32>
        %add3A_657 = arith.constant 1 : i32
        %add3A_658 = arith.addi %mul3A_653, %add3A_657 : i32
        %get3A_659 = arith.index_cast %add3A_658 : i32 to index
        %get3A_660 = arith.constant 0 : index
        %get3A_661 = tpu.vector_load %arg10[%get3A_659, %get3A_660] {strides = array<i32>} : memref<3200x16xf32, #tpu.memory_space<vmem>>, vector<1x16xf32>,
        %get3A_662 = vector.shape_cast %get3A_661 : vector<1x16xf32> to vector<16xf32>
        %add3A_663 = arith.addf %get3A_656, %get3A_662 : vector<16xf32>
        %add3A_664 = arith.constant 2 : i32
        %add3A_665 = arith.addi %mul3A_653, %add3A_664 : i32
        %get3A_666 = arith.index_cast %add3A_665 : i32 to index
        %get3A_667 = arith.constant 0 : index
        %get3A_668 = tpu.vector_load %arg10[%get3A_666, %get3A_667] {strides = array<i32>} : memref<3200x16xf32, #tpu.memory_space<vmem>>, vector<1x16xf32>,
        %get3A_669 = vector.shape_cast %get3A_668 : vector<1x16xf32> to vector<16xf32>
        %add3A_670 = arith.addf %add3A_663, %get3A_669 : vector<16xf32>
        %add3A_671 = arith.constant 3 : i32
        %add3A_672 = arith.addi %mul3A_653, %add3A_671 : i32
        %get3A_673 = arith.index_cast %add3A_672 : i32 to index
        %get3A_674 = arith.constant 0 : index
        %get3A_675 = tpu.vector_load %arg10[%get3A_673, %get3A_674] {strides = array<i32>} : memref<3200x16xf32, #tpu.memory_space<vmem>>, vector<1x16xf32>,
        %get3A_676 = vector.shape_cast %get3A_675 : vector<1x16xf32> to vector<16xf32>
        %add3A_677 = arith.addf %add3A_670, %get3A_676 : vector<16xf32>
        %add3A_678 = arith.constant 4 : i32
        %add3A_679 = arith.addi %mul3A_653, %add3A_678 : i32
        %get3A_680 = arith.index_cast %add3A_679 : i32 to index
        %get3A_681 = arith.constant 0 : index
        %get3A_682 = tpu.vector_load %arg10[%get3A_680, %get3A_681] {strides = array<i32>} : memref<3200x16xf32, #tpu.memory_space<vmem>>, vector<1x16xf32>,
        %get3A_683 = vector.shape_cast %get3A_682 : vector<1x16xf32> to vector<16xf32>
        %add3A_684 = arith.addf %add3A_677, %get3A_683 : vector<16xf32>
        %add3A_685 = arith.constant 5 : i32
        %add3A_686 = arith.addi %mul3A_653, %add3A_685 : i32
        %get3A_687 = arith.index_cast %add3A_686 : i32 to index
        %get3A_688 = arith.constant 0 : index
        %get3A_689 = tpu.vector_load %arg10[%get3A_687, %get3A_688] {strides = array<i32>} : memref<3200x16xf32, #tpu.memory_space<vmem>>, vector<1x16xf32>,
        %get3A_690 = vector.shape_cast %get3A_689 : vector<1x16xf32> to vector<16xf32>
        %add3A_691 = arith.addf %add3A_684, %get3A_690 : vector<16xf32>
        %add3A_692 = arith.constant 6 : i32
        %add3A_693 = arith.addi %mul3A_653, %add3A_692 : i32
        %get3A_694 = arith.index_cast %add3A_693 : i32 to index
        %get3A_695 = arith.constant 0 : index
        %get3A_696 = tpu.vector_load %arg10[%get3A_694, %get3A_695] {strides = array<i32>} : memref<3200x16xf32, #tpu.memory_space<vmem>>, vector<1x16xf32>,
        %get3A_697 = vector.shape_cast %get3A_696 : vector<1x16xf32> to vector<16xf32>
        %add3A_698 = arith.addf %add3A_691, %get3A_697 : vector<16xf32>
        %add3A_699 = arith.constant 7 : i32
        %add3A_700 = arith.addi %mul3A_653, %add3A_699 : i32
        %get3A_701 = arith.index_cast %add3A_700 : i32 to index
        %get3A_702 = arith.constant 0 : index
        %get3A_703 = tpu.vector_load %arg10[%get3A_701, %get3A_702] {strides = array<i32>} : memref<3200x16xf32, #tpu.memory_space<vmem>>, vector<1x16xf32>,
        %get3A_704 = vector.shape_cast %get3A_703 : vector<1x16xf32> to vector<16xf32>
        %add3A_705 = arith.addf %add3A_698, %get3A_704 : vector<16xf32>
        %add3A_706 = arith.constant 8 : i32
        %add3A_707 = arith.addi %mul3A_653, %add3A_706 : i32
        %get3A_708 = arith.index_cast %add3A_707 : i32 to index
        %get3A_709 = arith.constant 0 : index
        %get3A_710 = tpu.vector_load %arg10[%get3A_708, %get3A_709] {strides = array<i32>} : memref<3200x16xf32, #tpu.memory_space<vmem>>, vector<1x16xf32>,
        %get3A_711 = vector.shape_cast %get3A_710 : vector<1x16xf32> to vector<16xf32>
        %add3A_712 = arith.addf %add3A_705, %get3A_711 : vector<16xf32>
        %add3A_713 = arith.constant 9 : i32
        %add3A_714 = arith.addi %mul3A_653, %add3A_713 : i32
        %get3A_715 = arith.index_cast %add3A_714 : i32 to index
        %get3A_716 = arith.constant 0 : index
        %get3A_717 = tpu.vector_load %arg10[%get3A_715, %get3A_716] {strides = array<i32>} : memref<3200x16xf32, #tpu.memory_space<vmem>>, vector<1x16xf32>,
        %get3A_718 = vector.shape_cast %get3A_717 : vector<1x16xf32> to vector<16xf32>
        %add3A_719 = arith.addf %add3A_712, %get3A_718 : vector<16xf32>
        %add3A_720 = arith.constant 10 : i32
        %add3A_721 = arith.addi %mul3A_653, %add3A_720 : i32
        %get3A_722 = arith.index_cast %add3A_721 : i32 to index
        %get3A_723 = arith.constant 0 : index
        %get3A_724 = tpu.vector_load %arg10[%get3A_722, %get3A_723] {strides = array<i32>} : memref<3200x16xf32, #tpu.memory_space<vmem>>, vector<1x16xf32>,
        %get3A_725 = vector.shape_cast %get3A_724 : vector<1x16xf32> to vector<16xf32>
        %add3A_726 = arith.addf %add3A_719, %get3A_725 : vector<16xf32>
        %add3A_727 = arith.constant 11 : i32
        %add3A_728 = arith.addi %mul3A_653, %add3A_727 : i32
        %get3A_729 = arith.index_cast %add3A_728 : i32 to index
        %get3A_730 = arith.constant 0 : index
        %get3A_731 = tpu.vector_load %arg10[%get3A_729, %get3A_730] {strides = array<i32>} : memref<3200x16xf32, #tpu.memory_space<vmem>>, vector<1x16xf32>,
        %get3A_732 = vector.shape_cast %get3A_731 : vector<1x16xf32> to vector<16xf32>
        %add3A_733 = arith.addf %add3A_726, %get3A_732 : vector<16xf32>
        %add3A_734 = arith.constant 12 : i32
        %add3A_735 = arith.addi %mul3A_653, %add3A_734 : i32
        %get3A_736 = arith.index_cast %add3A_735 : i32 to index
        %get3A_737 = arith.constant 0 : index
        %get3A_738 = tpu.vector_load %arg10[%get3A_736, %get3A_737] {strides = array<i32>} : memref<3200x16xf32, #tpu.memory_space<vmem>>, vector<1x16xf32>,
        %get3A_739 = vector.shape_cast %get3A_738 : vector<1x16xf32> to vector<16xf32>
        %add3A_740 = arith.addf %add3A_733, %get3A_739 : vector<16xf32>
        %add3A_741 = arith.constant 13 : i32
        %add3A_742 = arith.addi %mul3A_653, %add3A_741 : i32
        %get3A_743 = arith.index_cast %add3A_742 : i32 to index
        %get3A_744 = arith.constant 0 : index
        %get3A_745 = tpu.vector_load %arg10[%get3A_743, %get3A_744] {strides = array<i32>} : memref<3200x16xf32, #tpu.memory_space<vmem>>, vector<1x16xf32>,
        %get3A_746 = vector.shape_cast %get3A_745 : vector<1x16xf32> to vector<16xf32>
        %add3A_747 = arith.addf %add3A_740, %get3A_746 : vector<16xf32>
        %add3A_748 = arith.constant 14 : i32
        %add3A_749 = arith.addi %mul3A_653, %add3A_748 : i32
        %get3A_750 = arith.index_cast %add3A_749 : i32 to index
        %get3A_751 = arith.constant 0 : index
        %get3A_752 = tpu.vector_load %arg10[%get3A_750, %get3A_751] {strides = array<i32>} : memref<3200x16xf32, #tpu.memory_space<vmem>>, vector<1x16xf32>,
        %get3A_753 = vector.shape_cast %get3A_752 : vector<1x16xf32> to vector<16xf32>
        %add3A_754 = arith.addf %add3A_747, %get3A_753 : vector<16xf32>
        %add3A_755 = arith.constant 15 : i32
        %add3A_756 = arith.addi %mul3A_653, %add3A_755 : i32
        %get3A_757 = arith.index_cast %add3A_756 : i32 to index
        %get3A_758 = arith.constant 0 : index
        %get3A_759 = tpu.vector_load %arg10[%get3A_757, %get3A_758] {strides = array<i32>} : memref<3200x16xf32, #tpu.memory_space<vmem>>, vector<1x16xf32>,
        %get3A_760 = vector.shape_cast %get3A_759 : vector<1x16xf32> to vector<16xf32>
        %add3A_761 = arith.addf %add3A_754, %get3A_760 : vector<16xf32>
        %add3A_762 = arith.constant 16 : i32
        %add3A_763 = arith.addi %mul3A_653, %add3A_762 : i32
        %get3A_764 = arith.index_cast %add3A_763 : i32 to index
        %get3A_765 = arith.constant 0 : index
        %get3A_766 = tpu.vector_load %arg10[%get3A_764, %get3A_765] {strides = array<i32>} : memref<3200x16xf32, #tpu.memory_space<vmem>>, vector<1x16xf32>,
        %get3A_767 = vector.shape_cast %get3A_766 : vector<1x16xf32> to vector<16xf32>
        %add3A_768 = arith.addf %add3A_761, %get3A_767 : vector<16xf32>
        %add3A_769 = arith.constant 17 : i32
        %add3A_770 = arith.addi %mul3A_653, %add3A_769 : i32
        %get3A_771 = arith.index_cast %add3A_770 : i32 to index
        %get3A_772 = arith.constant 0 : index
        %get3A_773 = tpu.vector_load %arg10[%get3A_771, %get3A_772] {strides = array<i32>} : memref<3200x16xf32, #tpu.memory_space<vmem>>, vector<1x16xf32>,
        %get3A_774 = vector.shape_cast %get3A_773 : vector<1x16xf32> to vector<16xf32>
        %add3A_775 = arith.addf %add3A_768, %get3A_774 : vector<16xf32>
        %add3A_776 = arith.constant 18 : i32
        %add3A_777 = arith.addi %mul3A_653, %add3A_776 : i32
        %get3A_778 = arith.index_cast %add3A_777 : i32 to index
        %get3A_779 = arith.constant 0 : index
        %get3A_780 = tpu.vector_load %arg10[%get3A_778, %get3A_779] {strides = array<i32>} : memref<3200x16xf32, #tpu.memory_space<vmem>>, vector<1x16xf32>,
        %get3A_781 = vector.shape_cast %get3A_780 : vector<1x16xf32> to vector<16xf32>
        %add3A_782 = arith.addf %add3A_775, %get3A_781 : vector<16xf32>
        %add3A_783 = arith.constant 19 : i32
        %add3A_784 = arith.addi %mul3A_653, %add3A_783 : i32
        %get3A_785 = arith.index_cast %add3A_784 : i32 to index
        %get3A_786 = arith.constant 0 : index
        %get3A_787 = tpu.vector_load %arg10[%get3A_785, %get3A_786] {strides = array<i32>} : memref<3200x16xf32, #tpu.memory_space<vmem>>, vector<1x16xf32>,
        %get3A_788 = vector.shape_cast %get3A_787 : vector<1x16xf32> to vector<16xf32>
        %add3A_789 = arith.addf %add3A_782, %get3A_788 : vector<16xf32>
        %add3A_790 = arith.constant 20 : i32
        %add3A_791 = arith.addi %mul3A_653, %add3A_790 : i32
        %get3A_792 = arith.index_cast %add3A_791 : i32 to index
        %get3A_793 = arith.constant 0 : index
        %get3A_794 = tpu.vector_load %arg10[%get3A_792, %get3A_793] {strides = array<i32>} : memref<3200x16xf32, #tpu.memory_space<vmem>>, vector<1x16xf32>,
        %get3A_795 = vector.shape_cast %get3A_794 : vector<1x16xf32> to vector<16xf32>
        %add3A_796 = arith.addf %add3A_789, %get3A_795 : vector<16xf32>
        %add3A_797 = arith.constant 21 : i32
        %add3A_798 = arith.addi %mul3A_653, %add3A_797 : i32
        %get3A_799 = arith.index_cast %add3A_798 : i32 to index
        %get3A_800 = arith.constant 0 : index
        %get3A_801 = tpu.vector_load %arg10[%get3A_799, %get3A_800] {strides = array<i32>} : memref<3200x16xf32, #tpu.memory_space<vmem>>, vector<1x16xf32>,
        %get3A_802 = vector.shape_cast %get3A_801 : vector<1x16xf32> to vector<16xf32>
        %add3A_803 = arith.addf %add3A_796, %get3A_802 : vector<16xf32>
        %add3A_804 = arith.constant 22 : i32
        %add3A_805 = arith.addi %mul3A_653, %add3A_804 : i32
        %get3A_806 = arith.index_cast %add3A_805 : i32 to index
        %get3A_807 = arith.constant 0 : index
        %get3A_808 = tpu.vector_load %arg10[%get3A_806, %get3A_807] {strides = array<i32>} : memref<3200x16xf32, #tpu.memory_space<vmem>>, vector<1x16xf32>,
        %get3A_809 = vector.shape_cast %get3A_808 : vector<1x16xf32> to vector<16xf32>
        %add3A_810 = arith.addf %add3A_803, %get3A_809 : vector<16xf32>
        %add3A_811 = arith.constant 23 : i32
        %add3A_812 = arith.addi %mul3A_653, %add3A_811 : i32
        %get3A_813 = arith.index_cast %add3A_812 : i32 to index
        %get3A_814 = arith.constant 0 : index
        %get3A_815 = tpu.vector_load %arg10[%get3A_813, %get3A_814] {strides = array<i32>} : memref<3200x16xf32, #tpu.memory_space<vmem>>, vector<1x16xf32>,
        %get3A_816 = vector.shape_cast %get3A_815 : vector<1x16xf32> to vector<16xf32>
        %add3A_817 = arith.addf %add3A_810, %get3A_816 : vector<16xf32>
        %add3A_818 = arith.constant 24 : i32
        %add3A_819 = arith.addi %mul3A_653, %add3A_818 : i32
        %get3A_820 = arith.index_cast %add3A_819 : i32 to index
        %get3A_821 = arith.constant 0 : index
        %get3A_822 = tpu.vector_load %arg10[%get3A_820, %get3A_821] {strides = array<i32>} : memref<3200x16xf32, #tpu.memory_space<vmem>>, vector<1x16xf32>,
        %get3A_823 = vector.shape_cast %get3A_822 : vector<1x16xf32> to vector<16xf32>
        %add3A_824 = arith.addf %add3A_817, %get3A_823 : vector<16xf32>
        %add3A_825 = arith.constant 25 : i32
        %add3A_826 = arith.addi %mul3A_653, %add3A_825 : i32
        %get3A_827 = arith.index_cast %add3A_826 : i32 to index
        %get3A_828 = arith.constant 0 : index
        %get3A_829 = tpu.vector_load %arg10[%get3A_827, %get3A_828] {strides = array<i32>} : memref<3200x16xf32, #tpu.memory_space<vmem>>, vector<1x16xf32>,
        %get3A_830 = vector.shape_cast %get3A_829 : vector<1x16xf32> to vector<16xf32>
        %add3A_831 = arith.addf %add3A_824, %get3A_830 : vector<16xf32>
        %add3A_832 = arith.constant 26 : i32
        %add3A_833 = arith.addi %mul3A_653, %add3A_832 : i32
        %get3A_834 = arith.index_cast %add3A_833 : i32 to index
        %get3A_835 = arith.constant 0 : index
        %get3A_836 = tpu.vector_load %arg10[%get3A_834, %get3A_835] {strides = array<i32>} : memref<3200x16xf32, #tpu.memory_space<vmem>>, vector<1x16xf32>,
        %get3A_837 = vector.shape_cast %get3A_836 : vector<1x16xf32> to vector<16xf32>
        %add3A_838 = arith.addf %add3A_831, %get3A_837 : vector<16xf32>
        %add3A_839 = arith.constant 27 : i32
        %add3A_840 = arith.addi %mul3A_653, %add3A_839 : i32
        %get3A_841 = arith.index_cast %add3A_840 : i32 to index
        %get3A_842 = arith.constant 0 : index
        %get3A_843 = tpu.vector_load %arg10[%get3A_841, %get3A_842] {strides = array<i32>} : memref<3200x16xf32, #tpu.memory_space<vmem>>, vector<1x16xf32>,
        %get3A_844 = vector.shape_cast %get3A_843 : vector<1x16xf32> to vector<16xf32>
        %add3A_845 = arith.addf %add3A_838, %get3A_844 : vector<16xf32>
        %add3A_846 = arith.constant 28 : i32
        %add3A_847 = arith.addi %mul3A_653, %add3A_846 : i32
        %get3A_848 = arith.index_cast %add3A_847 : i32 to index
        %get3A_849 = arith.constant 0 : index
        %get3A_850 = tpu.vector_load %arg10[%get3A_848, %get3A_849] {strides = array<i32>} : memref<3200x16xf32, #tpu.memory_space<vmem>>, vector<1x16xf32>,
        %get3A_851 = vector.shape_cast %get3A_850 : vector<1x16xf32> to vector<16xf32>
        %add3A_852 = arith.addf %add3A_845, %get3A_851 : vector<16xf32>
        %add3A_853 = arith.constant 29 : i32
        %add3A_854 = arith.addi %mul3A_653, %add3A_853 : i32
        %get3A_855 = arith.index_cast %add3A_854 : i32 to index
        %get3A_856 = arith.constant 0 : index
        %get3A_857 = tpu.vector_load %arg10[%get3A_855, %get3A_856] {strides = array<i32>} : memref<3200x16xf32, #tpu.memory_space<vmem>>, vector<1x16xf32>,
        %get3A_858 = vector.shape_cast %get3A_857 : vector<1x16xf32> to vector<16xf32>
        %add3A_859 = arith.addf %add3A_852, %get3A_858 : vector<16xf32>
        %add3A_860 = arith.constant 30 : i32
        %add3A_861 = arith.addi %mul3A_653, %add3A_860 : i32
        %get3A_862 = arith.index_cast %add3A_861 : i32 to index
        %get3A_863 = arith.constant 0 : index
        %get3A_864 = tpu.vector_load %arg10[%get3A_862, %get3A_863] {strides = array<i32>} : memref<3200x16xf32, #tpu.memory_space<vmem>>, vector<1x16xf32>,
        %get3A_865 = vector.shape_cast %get3A_864 : vector<1x16xf32> to vector<16xf32>
        %add3A_866 = arith.addf %add3A_859, %get3A_865 : vector<16xf32>
        %add3A_867 = arith.constant 31 : i32
        %add3A_868 = arith.addi %mul3A_653, %add3A_867 : i32
        %get3A_869 = arith.index_cast %add3A_868 : i32 to index
        %get3A_870 = arith.constant 0 : index
        %get3A_871 = tpu.vector_load %arg10[%get3A_869, %get3A_870] {strides = array<i32>} : memref<3200x16xf32, #tpu.memory_space<vmem>>, vector<1x16xf32>,
        %get3A_872 = vector.shape_cast %get3A_871 : vector<1x16xf32> to vector<16xf32>
        %add3A_873 = arith.addf %add3A_866, %get3A_872 : vector<16xf32>
        %add3A_874 = arith.constant 32 : i32
        %add3A_875 = arith.addi %mul3A_653, %add3A_874 : i32
        %get3A_876 = arith.index_cast %add3A_875 : i32 to index
        %get3A_877 = arith.constant 0 : index
        %get3A_878 = tpu.vector_load %arg10[%get3A_876, %get3A_877] {strides = array<i32>} : memref<3200x16xf32, #tpu.memory_space<vmem>>, vector<1x16xf32>,
        %get3A_879 = vector.shape_cast %get3A_878 : vector<1x16xf32> to vector<16xf32>
        %add3A_880 = arith.addf %add3A_873, %get3A_879 : vector<16xf32>
        %add3A_881 = arith.constant 33 : i32
        %add3A_882 = arith.addi %mul3A_653, %add3A_881 : i32
        %get3A_883 = arith.index_cast %add3A_882 : i32 to index
        %get3A_884 = arith.constant 0 : index
        %get3A_885 = tpu.vector_load %arg10[%get3A_883, %get3A_884] {strides = array<i32>} : memref<3200x16xf32, #tpu.memory_space<vmem>>, vector<1x16xf32>,
        %get3A_886 = vector.shape_cast %get3A_885 : vector<1x16xf32> to vector<16xf32>
        %add3A_887 = arith.addf %add3A_880, %get3A_886 : vector<16xf32>
        %add3A_888 = arith.constant 34 : i32
        %add3A_889 = arith.addi %mul3A_653, %add3A_888 : i32
        %get3A_890 = arith.index_cast %add3A_889 : i32 to index
        %get3A_891 = arith.constant 0 : index
        %get3A_892 = tpu.vector_load %arg10[%get3A_890, %get3A_891] {strides = array<i32>} : memref<3200x16xf32, #tpu.memory_space<vmem>>, vector<1x16xf32>,
        %get3A_893 = vector.shape_cast %get3A_892 : vector<1x16xf32> to vector<16xf32>
        %add3A_894 = arith.addf %add3A_887, %get3A_893 : vector<16xf32>
        %add3A_895 = arith.constant 35 : i32
        %add3A_896 = arith.addi %mul3A_653, %add3A_895 : i32
        %get3A_897 = arith.index_cast %add3A_896 : i32 to index
        %get3A_898 = arith.constant 0 : index
        %get3A_899 = tpu.vector_load %arg10[%get3A_897, %get3A_898] {strides = array<i32>} : memref<3200x16xf32, #tpu.memory_space<vmem>>, vector<1x16xf32>,
        %get3A_900 = vector.shape_cast %get3A_899 : vector<1x16xf32> to vector<16xf32>
        %add3A_901 = arith.addf %add3A_894, %get3A_900 : vector<16xf32>
        %add3A_902 = arith.constant 36 : i32
        %add3A_903 = arith.addi %mul3A_653, %add3A_902 : i32
        %get3A_904 = arith.index_cast %add3A_903 : i32 to index
        %get3A_905 = arith.constant 0 : index
        %get3A_906 = tpu.vector_load %arg10[%get3A_904, %get3A_905] {strides = array<i32>} : memref<3200x16xf32, #tpu.memory_space<vmem>>, vector<1x16xf32>,
        %get3A_907 = vector.shape_cast %get3A_906 : vector<1x16xf32> to vector<16xf32>
        %add3A_908 = arith.addf %add3A_901, %get3A_907 : vector<16xf32>
        %add3A_909 = arith.constant 37 : i32
        %add3A_910 = arith.addi %mul3A_653, %add3A_909 : i32
        %get3A_911 = arith.index_cast %add3A_910 : i32 to index
        %get3A_912 = arith.constant 0 : index
        %get3A_913 = tpu.vector_load %arg10[%get3A_911, %get3A_912] {strides = array<i32>} : memref<3200x16xf32, #tpu.memory_space<vmem>>, vector<1x16xf32>,
        %get3A_914 = vector.shape_cast %get3A_913 : vector<1x16xf32> to vector<16xf32>
        %add3A_915 = arith.addf %add3A_908, %get3A_914 : vector<16xf32>
        %add3A_916 = arith.constant 38 : i32
        %add3A_917 = arith.addi %mul3A_653, %add3A_916 : i32
        %get3A_918 = arith.index_cast %add3A_917 : i32 to index
        %get3A_919 = arith.constant 0 : index
        %get3A_920 = tpu.vector_load %arg10[%get3A_918, %get3A_919] {strides = array<i32>} : memref<3200x16xf32, #tpu.memory_space<vmem>>, vector<1x16xf32>,
        %get3A_921 = vector.shape_cast %get3A_920 : vector<1x16xf32> to vector<16xf32>
        %add3A_922 = arith.addf %add3A_915, %get3A_921 : vector<16xf32>
        %add3A_923 = arith.constant 39 : i32
        %add3A_924 = arith.addi %mul3A_653, %add3A_923 : i32
        %get3A_925 = arith.index_cast %add3A_924 : i32 to index
        %get3A_926 = arith.constant 0 : index
        %get3A_927 = tpu.vector_load %arg10[%get3A_925, %get3A_926] {strides = array<i32>} : memref<3200x16xf32, #tpu.memory_space<vmem>>, vector<1x16xf32>,
        %get3A_928 = vector.shape_cast %get3A_927 : vector<1x16xf32> to vector<16xf32>
        %add3A_929 = arith.addf %add3A_922, %get3A_928 : vector<16xf32>
        %add3A_930 = arith.constant 40 : i32
        %add3A_931 = arith.addi %mul3A_653, %add3A_930 : i32
        %get3A_932 = arith.index_cast %add3A_931 : i32 to index
        %get3A_933 = arith.constant 0 : index
        %get3A_934 = tpu.vector_load %arg10[%get3A_932, %get3A_933] {strides = array<i32>} : memref<3200x16xf32, #tpu.memory_space<vmem>>, vector<1x16xf32>,
        %get3A_935 = vector.shape_cast %get3A_934 : vector<1x16xf32> to vector<16xf32>
        %add3A_936 = arith.addf %add3A_929, %get3A_935 : vector<16xf32>
        %add3A_937 = arith.constant 41 : i32
        %add3A_938 = arith.addi %mul3A_653, %add3A_937 : i32
        %get3A_939 = arith.index_cast %add3A_938 : i32 to index
        %get3A_940 = arith.constant 0 : index
        %get3A_941 = tpu.vector_load %arg10[%get3A_939, %get3A_940] {strides = array<i32>} : memref<3200x16xf32, #tpu.memory_space<vmem>>, vector<1x16xf32>,
        %get3A_942 = vector.shape_cast %get3A_941 : vector<1x16xf32> to vector<16xf32>
        %add3A_943 = arith.addf %add3A_936, %get3A_942 : vector<16xf32>
        %add3A_944 = arith.constant 42 : i32
        %add3A_945 = arith.addi %mul3A_653, %add3A_944 : i32
        %get3A_946 = arith.index_cast %add3A_945 : i32 to index
        %get3A_947 = arith.constant 0 : index
        %get3A_948 = tpu.vector_load %arg10[%get3A_946, %get3A_947] {strides = array<i32>} : memref<3200x16xf32, #tpu.memory_space<vmem>>, vector<1x16xf32>,
        %get3A_949 = vector.shape_cast %get3A_948 : vector<1x16xf32> to vector<16xf32>
        %add3A_950 = arith.addf %add3A_943, %get3A_949 : vector<16xf32>
        %add3A_951 = arith.constant 43 : i32
        %add3A_952 = arith.addi %mul3A_653, %add3A_951 : i32
        %get3A_953 = arith.index_cast %add3A_952 : i32 to index
        %get3A_954 = arith.constant 0 : index
        %get3A_955 = tpu.vector_load %arg10[%get3A_953, %get3A_954] {strides = array<i32>} : memref<3200x16xf32, #tpu.memory_space<vmem>>, vector<1x16xf32>,
        %get3A_956 = vector.shape_cast %get3A_955 : vector<1x16xf32> to vector<16xf32>
        %add3A_957 = arith.addf %add3A_950, %get3A_956 : vector<16xf32>
        %add3A_958 = arith.constant 44 : i32
        %add3A_959 = arith.addi %mul3A_653, %add3A_958 : i32
        %get3A_960 = arith.index_cast %add3A_959 : i32 to index
        %get3A_961 = arith.constant 0 : index
        %get3A_962 = tpu.vector_load %arg10[%get3A_960, %get3A_961] {strides = array<i32>} : memref<3200x16xf32, #tpu.memory_space<vmem>>, vector<1x16xf32>,
        %get3A_963 = vector.shape_cast %get3A_962 : vector<1x16xf32> to vector<16xf32>
        %add3A_964 = arith.addf %add3A_957, %get3A_963 : vector<16xf32>
        %add3A_965 = arith.constant 45 : i32
        %add3A_966 = arith.addi %mul3A_653, %add3A_965 : i32
        %get3A_967 = arith.index_cast %add3A_966 : i32 to index
        %get3A_968 = arith.constant 0 : index
        %get3A_969 = tpu.vector_load %arg10[%get3A_967, %get3A_968] {strides = array<i32>} : memref<3200x16xf32, #tpu.memory_space<vmem>>, vector<1x16xf32>,
        %get3A_970 = vector.shape_cast %get3A_969 : vector<1x16xf32> to vector<16xf32>
        %add3A_971 = arith.addf %add3A_964, %get3A_970 : vector<16xf32>
        %add3A_972 = arith.constant 46 : i32
        %add3A_973 = arith.addi %mul3A_653, %add3A_972 : i32
        %get3A_974 = arith.index_cast %add3A_973 : i32 to index
        %get3A_975 = arith.constant 0 : index
        %get3A_976 = tpu.vector_load %arg10[%get3A_974, %get3A_975] {strides = array<i32>} : memref<3200x16xf32, #tpu.memory_space<vmem>>, vector<1x16xf32>,
        %get3A_977 = vector.shape_cast %get3A_976 : vector<1x16xf32> to vector<16xf32>
        %add3A_978 = arith.addf %add3A_971, %get3A_977 : vector<16xf32>
        %add3A_979 = arith.constant 47 : i32
        %add3A_980 = arith.addi %mul3A_653, %add3A_979 : i32
        %get3A_981 = arith.index_cast %add3A_980 : i32 to index
        %get3A_982 = arith.constant 0 : index
        %get3A_983 = tpu.vector_load %arg10[%get3A_981, %get3A_982] {strides = array<i32>} : memref<3200x16xf32, #tpu.memory_space<vmem>>, vector<1x16xf32>,
        %get3A_984 = vector.shape_cast %get3A_983 : vector<1x16xf32> to vector<16xf32>
        %add3A_985 = arith.addf %add3A_978, %get3A_984 : vector<16xf32>
        %add3A_986 = arith.constant 48 : i32
        %add3A_987 = arith.addi %mul3A_653, %add3A_986 : i32
        %get3A_988 = arith.index_cast %add3A_987 : i32 to index
        %get3A_989 = arith.constant 0 : index
        %get3A_990 = tpu.vector_load %arg10[%get3A_988, %get3A_989] {strides = array<i32>} : memref<3200x16xf32, #tpu.memory_space<vmem>>, vector<1x16xf32>,
        %get3A_991 = vector.shape_cast %get3A_990 : vector<1x16xf32> to vector<16xf32>
        %add3A_992 = arith.addf %add3A_985, %get3A_991 : vector<16xf32>
        %add3A_993 = arith.constant 49 : i32
        %add3A_994 = arith.addi %mul3A_653, %add3A_993 : i32
        %get3A_995 = arith.index_cast %add3A_994 : i32 to index
        %get3A_996 = arith.constant 0 : index
        %get3A_997 = tpu.vector_load %arg10[%get3A_995, %get3A_996] {strides = array<i32>} : memref<3200x16xf32, #tpu.memory_space<vmem>>, vector<1x16xf32>,
        %get3A_998 = vector.shape_cast %get3A_997 : vector<1x16xf32> to vector<16xf32>
        %add3A_999 = arith.addf %add3A_992, %get3A_998 : vector<16xf32>
        %mul3A_1000 = arith.constant 64 : i32
        %mul3A_1001 = arith.muli %scan3A_92, %mul3A_1000 : i32
        %add3A_1002 = arith.addi %mul3A_1001, %scan3A_650 : i32
        %get3A_1003 = arith.index_cast %add3A_1002 : i32 to index
        %get3A_1004 = arith.constant 0 : index
        %get3A_1005 = tpu.vector_load %arg8[%get3A_1003, %get3A_1004] {strides = array<i32>} : memref<512x16xf32, #tpu.memory_space<vmem>>, vector<1x16xf32>,
        %get3A_1006 = vector.shape_cast %get3A_1005 : vector<1x16xf32> to vector<16xf32>
        %mul3A_1007 = arith.mulf %get3A_1006, %add3A_999 : vector<16xf32>
        %add3A_1008 = arith.addf %scan3A_651, %mul3A_1007 : vector<16xf32>
        scf.yield %add3A_1008 : vector<16xf32>
      }
      %scan3A_649 = arith.constant 64 : i32
      scf.yield %scan3A_648 : vector<16xf32>
    }
    %scan3A_86 = arith.constant 8 : i32
    %swap3A = arith.constant 0 : i32
    %swap3A_87 = arith.index_cast %swap3A : i32 to index
    %swap3A_88 = arith.constant 0 : index
    %swap3A_89 = tpu.vector_load %arg11[%swap3A_87, %swap3A_88] {strides = array<i32>} : memref<1x16xf32, #tpu.memory_space<vmem>>, vector<1x16xf32>,
    %swap3A_90 = vector.shape_cast %swap3A_89 : vector<1x16xf32> to vector<16xf32>
    %swap3A_91 = vector.shape_cast %scan3A_85 : vector<16xf32> to vector<1x16xf32>
    tpu.vector_store %arg11[%swap3A_87, %swap3A_88], %swap3A_91 {strides = array<i32>} : memref<1x16xf32, #tpu.memory_space<vmem>>, vector<1x16xf32>,
    "tpu.region"() ({
      %run_scoped3A = tpu.sem_alloc : memref<!tpu.dma_semaphore, #tpu.memory_space<semaphore_mem>>
      %dma_start3A_92 = arith.constant 0 : i32
      %dma_start3A_93 = arith.constant 0 : i32
      %dma_start3A_94 = tpu.memref_slice %arg6[%add3A, %dma_start3A_92, %dma_start3A_93] : memref<32x1x16xf32, #tpu.memory_space<hbm>> -> memref<1x1x16xf32, #tpu.memory_space<hbm>>
      %dma_start3A_95 = tpu.memref_squeeze %dma_start3A_94 : memref<1x1x16xf32, #tpu.memory_space<hbm>> -> memref<1x16xf32, #tpu.memory_space<hbm>>
      %dma_start3A_96 = arith.constant 0 : i32
      %dma_start3A_97 = arith.constant 0 : i32
      %dma_start3A_98 = tpu.memref_slice %arg6[%add3A, %dma_start3A_96, %dma_start3A_97] : memref<32x1x16xf32, #tpu.memory_space<hbm>> -> memref<1x1x16xf32, #tpu.memory_space<hbm>>
      %dma_start3A_99 = tpu.memref_squeeze %dma_start3A_98 : memref<1x1x16xf32, #tpu.memory_space<hbm>> -> memref<1x16xf32, #tpu.memory_space<hbm>>
      tpu.enqueue_dma source(%arg11 : memref<1x16xf32, #tpu.memory_space<vmem>>) target(%dma_start3A_99 : memref<1x16xf32, #tpu.memory_space<hbm>>) target_semaphore(%run_scoped3A : memref<!tpu.dma_semaphore, #tpu.memory_space<semaphore_mem>>)
      %dma_wait3A_100 = arith.constant 0 : i32
      %dma_wait3A_101 = arith.constant 0 : i32
      %dma_wait3A_102 = tpu.memref_slice %arg6[%add3A, %dma_wait3A_100, %dma_wait3A_101] : memref<32x1x16xf32, #tpu.memory_space<hbm>> -> memref<1x1x16xf32, #tpu.memory_space<hbm>>
      %dma_wait3A_103 = tpu.memref_squeeze %dma_wait3A_102 : memref<1x1x16xf32, #tpu.memory_space<hbm>> -> memref<1x16xf32, #tpu.memory_space<hbm>>
      %dma_wait3A_104 = arith.constant 0 : i32
      %dma_wait3A_105 = arith.constant 0 : i32
      %dma_wait3A_106 = tpu.memref_slice %arg6[%add3A, %dma_wait3A_104, %dma_wait3A_105] : memref<32x1x16xf32, #tpu.memory_space<hbm>> -> memref<1x1x16xf32, #tpu.memory_space<hbm>>
      %dma_wait3A_107 = tpu.memref_squeeze %dma_wait3A_106 : memref<1x1x16xf32, #tpu.memory_space<hbm>> -> memref<1x16xf32, #tpu.memory_space<hbm>>
      tpu.wait_dma2 semaphore(%run_scoped3A : memref<!tpu.dma_semaphore, #tpu.memory_space<semaphore_mem>>) src(%arg11 : memref<1x16xf32, #tpu.memory_space<vmem>>) dst(%dma_wait3A_107 : memref<1x16xf32, #tpu.memory_space<hbm>>)
      tpu.yield
    }) : () -> ()
    return
  }
}

</mosaic_0001>

<sc_bundles>
// kernel: _sc_call.3.cloned.1.call-start
scs
__scs_entry_jumppad:
0x0: {  	(pc) =	sbr.rel $0x88, $3  }
0x1: {  	(tag) =	ssettag $0x0;
	lr =	simm.s32 $0x1  }
0x2: {  	[smem:$0x3F9E] =	sst lr;
	_ =	strace $0xD0000000  }
0x3: {  	_ = 	snop  }
0x4: {  	_ = 	snop  }
0x5: {  	_ = 	snop  }
0x6: {  	_ = 	snop  }
0x7: {  	_ = 	snop  }
__scs_overlays_trampoline_lowered:
0x8: {  	[smem:$0x3FAD] =	sst s0  }
0x9: {  	[smem:$0x3FAE] =	sst s1  }
0xa: {  	[smem:$0x3FAF] =	sst s2  }
0xb: {  	[smem:$0x3FB0] =	sst s3  }
0xc: {  	[smem:$0x3FB1] =	sst s4  }
0xd: {  	[smem:$0x3FB2] =	sst s5  }
0xe: {  	[smem:$0x3FB3] =	sst s6  }
0xf: {  	[smem:$0x3FB4] =	sst s7  }
0x10: {  	[smem:$0x3FB5] =	sst s8  }
0x11: {  	[smem:$0x3FB6] =	sst s9;
	s0 =	simm.s32 @!p0 $0x0  }
0x12: {  	s1 =	sld [smem:$0x3F9C];
	s0 =	simm.s32 @p0 $0x1  }
0x13: {  	[smem:$0x3FB7] =	sst s0;
	s0 =	simm.s32 @!p1 $0x0  }
0x14: {  	s2 =	sld [smem:$0x3F9B];
	s0 =	simm.s32 @p1 $0x1  }
0x15: {  	[smem:$0x3FB8] =	sst s0;
	s0 =	simm.s32 @!p2 $0x0  }
0x16: {  	s3 =	sld [smem:$0x3FDB];
	s0 =	simm.s32 @p2 $0x1  }
0x17: {  	s4 =	simm.s32 $0x1BF5;
	[smem:$0x3FBA] =	sst s0  }
0x18: {  	s0 =	sld [smem:$0x3F9D];
	_ =	swait.ge [sflag:s4], $0x0  }
0x19: {  	s7 =	sld [smem:$0x3F9E]  }
0x1a: {  	s8 =	sadd.s32 $0xFFFFE003, lr  }
0x1b: {  	s9 =	sadd.s32 $0xFFFFFEF7, lr;
	s5 =	simm.s32 $0xFFFFFFFF;
	p2 =	slt.u32 s8, $0xFFFFF086  }
0x1c: {  	p1 =	slt.u32 s9, $0xF7A;
	s5 =	simm.s32 @!p2 $0x0  }
0x1d: {  	s5 =	simm.s32 @p1 $0x1;
	p0 =	seq.s32 s7, s2  }
0x1e: {  	s7 =	smul.u32 @!p0 $0xF7A, s2;
	p2 =	seq.s32 @!p0 s5, $0x0  }
0x1f: {  	s9 =	smul.u32 $0xF7A, s1;
	s8 =	simm.s32 @!p0 $0x1BF5;
	p2 =	por !p2, p0  }
0x20: {  	[sflag:s8] =	ssyncset.s32 @!p0 $0xFFFFF086;
	s6 =	sadd.s32 @!p0 s3, s7;
	s7 =	simm.s32 @!p0 $0x108  }
0x21: {  	s3 =	sadd.s32 s3, s9;
	s6 =	sadd.s32 @!p0 $0x88, s6;
	s7 =	simm.s32 @p2 $0x1082  }
0x22: {  	[simem:s7], [sflag:s8] =	dma.local @!p0 [hbm:s6], $0xF7A  }
0x23: {  	s9 =	sor.u32 $0xD0000000, s2;
	s6 =	simm.s32 $0x108;
	_ =	swait.ge @!p0 [sflag:s8], $0x0  }
0x24: {  	s3 =	sadd.s32 $0x88, s3;
	s6 =	simm.s32 @!p1 $0x1082;
	[sflag:s4] =	ssyncset.s32 $0xFFFFF086  }
0x25: {  	[simem:s6], [sflag:s4] =	dma.local [hbm:s3], $0xF7A  }
0x26: {  	[smem:$0x3F9E] =	sst s1;
	(tag) =	ssettag s2;
	_ =	strace s9  }
0x27: {  	s1 =	sld [smem:$0x3FAE]  }
0x28: {  	s2 =	sld [smem:$0x3FAF]  }
0x29: {  	s4 =	sld [smem:$0x3FB1]  }
0x2a: {  	p0 =	seq.s32 s5, $0x0;
	s5 =	sld [smem:$0x3FB2]  }
0x2b: {  	s6 =	sld [smem:$0x3FB3]  }
0x2c: {  	s7 =	sld [smem:$0x3FB4]  }
0x2d: {  	s3 =	simm.s32 $0x108;
	s8 =	sld [smem:$0x3FB5]  }
0x2e: {  	s3 =	simm.s32 @!p0 $0x1082;
	s9 =	sld [smem:$0x3FB6]  }
0x2f: {  	lr =	sadd.s32 s0, s3;
	s0 =	sld [smem:$0x3FAD]  }
0x30: {  	s3 =	sld [smem:$0x3FB0]  }
0x31: {  	[smem:$0x3FB9] =	sst s10  }
0x32: {  	s10 =	sld [smem:$0x3FB7];
	_ =	sdelay $0x3  }
0x33: {  	p0 =	seq.s32 s10, $0x1;
	s10 =	sld [smem:$0x3FB9];
	_ =	sdelay $0x3  }
0x34: {  	[smem:$0x3FB9] =	sst s10  }
0x35: {  	s10 =	sld [smem:$0x3FB8];
	_ =	sdelay $0x3  }
0x36: {  	p1 =	seq.s32 s10, $0x1;
	s10 =	sld [smem:$0x3FB9];
	_ =	sdelay $0x3  }
0x37: {  	[smem:$0x3FB9] =	sst s10  }
0x38: {  	s10 =	sld [smem:$0x3FBA]  }
0x39: {  	_ = 	snop;
	(pc) =	sbr.ind lr, $3  }
0x3a: {  	_ = 	snop  }
0x3b: {  	_ = 	snop  }
0x3c: {  	p2 =	seq.s32 s10, $0x1;
	s10 =	sld [smem:$0x3FB9]  }
0x3d: {  	_ =	shalt  }
0x3e: {  	_ =	shalt  }
0x3f: {  	_ =	shalt  }
0x40: {  	_ =	shalt  }
0x41: {  	_ =	shalt  }
0x42: {  	_ =	shalt  }
0x43: {  	_ =	shalt  }
0x44: {  	_ =	shalt  }
0x45: {  	_ =	shalt  }
0x46: {  	_ =	shalt  }
0x47: {  	_ =	shalt  }
0x48: {  	_ =	shalt  }
0x49: {  	_ =	shalt  }
0x4a: {  	_ =	shalt  }
0x4b: {  	_ =	shalt  }
0x4c: {  	_ =	shalt  }
0x4d: {  	_ =	shalt  }
0x4e: {  	_ =	shalt  }
0x4f: {  	_ =	shalt  }
0x50: {  	_ =	shalt  }
0x51: {  	_ =	shalt  }
0x52: {  	_ =	shalt  }
0x53: {  	_ =	shalt  }
0x54: {  	_ =	shalt  }
0x55: {  	_ =	shalt  }
0x56: {  	_ =	shalt  }
0x57: {  	_ =	shalt  }
0x58: {  	_ =	shalt  }
0x59: {  	_ =	shalt  }
0x5a: {  	_ =	shalt  }
0x5b: {  	_ =	shalt  }
0x5c: {  	_ =	shalt  }
0x5d: {  	_ =	shalt  }
0x5e: {  	_ =	shalt  }
0x5f: {  	_ =	shalt  }
0x60: {  	_ =	shalt  }
0x61: {  	_ =	shalt  }
0x62: {  	_ =	shalt  }
0x63: {  	_ =	shalt  }
0x64: {  	_ =	shalt  }
0x65: {  	_ =	shalt  }
0x66: {  	_ =	shalt  }
0x67: {  	_ =	shalt  }
0x68: {  	_ =	shalt  }
0x69: {  	_ =	shalt  }
0x6a: {  	_ =	shalt  }
0x6b: {  	_ =	shalt  }
0x6c: {  	_ =	shalt  }
0x6d: {  	_ =	shalt  }
0x6e: {  	_ =	shalt  }
0x6f: {  	_ =	shalt  }
0x70: {  	_ =	shalt  }
0x71: {  	_ =	shalt  }
0x72: {  	_ =	shalt  }
0x73: {  	_ =	shalt  }
0x74: {  	_ =	shalt  }
0x75: {  	_ =	shalt  }
0x76: {  	_ =	shalt  }
0x77: {  	_ =	shalt  }
0x78: {  	_ =	shalt  }
0x79: {  	_ =	shalt  }
0x7a: {  	_ =	shalt  }
0x7b: {  	_ =	shalt  }
0x7c: {  	_ =	shalt  }
0x7d: {  	_ =	shalt  }
0x7e: {  	_ =	shalt  }
0x7f: {  	_ =	shalt  }
0x80: {  	_ =	shalt  }
0x81: {  	_ =	shalt  }
0x82: {  	_ =	shalt  }
0x83: {  	_ =	shalt  }
0x84: {  	_ =	shalt  }
0x85: {  	_ =	shalt  }
0x86: {  	_ =	shalt  }
0x87: {  	_ =	shalt  }
.Lfunc_end0:
.L_simem_size_0:
called_computation_lowered:
.L_overlay_start_0:
0x88: {  	s2 =	sld [smem:$0x3FD9]  }
0x89: {  	s3 =	sld [smem:$0x3FFE];
	_ =	sdelay $0x1  }
0x8a: {  	s1 =	srdreg.scid  }
0x8b: {  	s0 =	sand.u32 $0x1, s1  }
0x8c: {  	s14 =	sshll.u32 s0, $0xA;
	s2 =	sadd.s32 s3, s2  }
0x8d: {  	s2 =	sadd.s32 s2, s14  }
0x8e: {  	[smem:$0x3FC5] =	sst s2  }
0x8f: {  	_ = 	snop  }
0x90: {  	s2 =	sld [smem:$0x3FD0];
	_ =	sdelay $0x1  }
0x91: {  	s15 =	sld [smem:$0x3FC8]  }
0x92: {  	s5 =	simm.s32 $0xA;
	s6 =	simm.s32 $0x10;
	s4 =	sld [smem:$0x3FC7]  }
0x93: {  	[smem:s6], [sflag:s5] =	dma.local [hbm:s2], $0x1  }
0x94: {  	_ =	swait.eq [sflag:s5], $0x1  }
0x95: {  	[sflag:s5] =	ssyncset.done $0x0  }
0x96: {  	s16 =	sld [smem:$0x10];
	[sflag:s5] =	ssyncadd.s32 $0xFFFFFFFF  }
0x97: {  	s17 =	sld [smem:$0x11];
	(tm) =	ssettm $0x1  }
0x98: {  	s18 =	sld [smem:$0x3FFB];
	_ =	sdelay $0x3  }
0x99: {  	_ =	strace s18  }
0x9a: {  	s6 =	sld [smem:$0x3FFC];
	_ =	sdelay $0x3  }
0x9b: {  	_ =	strace s6  }
0x9c: {  	s6 =	sld [smem:$0x3FFD];
	_ =	sdelay $0x3  }
0x9d: {  	_ =	strace s6  }
0x9e: {  	_ =	strace $0x8FFFFFFF  }
0x9f: {  	s19 =	sld [smem:$0x3FDB];
	_ =	sdelay $0x1  }
0xa0: {  	s7 =	simm.s32 $_scs_section_size  }
0xa1: {  	s8 =	simm.s32 $_size__tile_overlayer_lowered;
	s9 =	simm.s32 $_tile_overlayer_lowered  }
0xa2: {  	s22 =	simm.s32 $0x1BFF;
	s21 =	sshll.u32 s9, $0x1;
	s6 =	sadd.s32 s7, s19  }
0xa3: {  	s10 =	simm.s32 $0x0;
	s20 =	sshll.u32 s8, $0x1;
	s8 =	sadd.s32 s21, s6  }
0xa4: {  	[timem:s10], [sflag:s22] =	dma.local [hbm:s8], s20  }
0xa5: {  	_ =	swait.ge [sflag:s22], s20  }
0xa6: {  	s7 =	ssub.s32 $0x0, s20;
	[sflag:s22] =	ssyncset.done $0x0  }
0xa7: {  	[sflag:s22] =	ssyncadd.s32 s7;
	_ =	sdelay $0x1  }
0xa8: {  	s23 =	simm.s32 $0x1B8B  }
0xa9: {  	_ =	swait.ge [sflag:s23], $0x1  }
0xaa: {  	[sflag:s23] =	ssyncset.done $0x0  }
0xab: {  	s25 =	simm.s32 $0x1B8E;
	s24 =	sld [smem:$0x3FFE];
	[sflag:s23] =	ssyncadd.s32 $0xFFFFFFFF  }
0xac: {  	s26 =	simm.s32 $execute0_lowered;
	[smem:$0x3FD2] =	sst s25  }
0xad: {  	s8 =	sshll.u32 s26, $0x1;
	_ =	strace $0x80000046;
	[dreg:$0x1] =	wrdreg $0xFFFFFFFF  }
0xae: {  	s28 =	simm.s32 $_size_execute0_lowered;
	s6 =	sadd.s32 s6, s8;
	[dreg:$0x0] =	wrdreg $0x0  }
0xaf: {  	s8 =	sshll.u32 s28, $0x1;
	[dreg:$0x2] =	wrdreg s6  }
0xb0: {  	[dreg:$0x3] =	wrdreg s8  }
0xb1: {  	[dreg:$0x4] =	wrdreg $0xC0  }
0xb2: {  	_ =	task [dreg:s10], $0x5FFFF  }
0xb3: {  	[dreg:$0x1] =	wrdreg $0xFFFFFFFF  }
0xb4: {  	[dreg:$0x0] =	wrdreg $0x60  }
0xb5: {  	[dreg:$0x2] =	wrdreg s24  }
0xb6: {  	[dreg:$0x3] =	wrdreg s15  }
0xb7: {  	[dreg:$0x4] =	wrdreg s4  }
0xb8: {  	[dreg:$0x5] =	wrdreg s16  }
0xb9: {  	[dreg:$0x6] =	wrdreg s17  }
0xba: {  	[dreg:$0x7] =	wrdreg $0x9  }
0xbb: {  	_ =	task.clear_ibuf [dreg:s10], $0x8FFFF;
	_ =	strace $0x90000046  }
0xbc: {  	s29 =	simm.s32 $0x9;
	_ =	strace $0x80000048  }
0xbd: {  	_ =	swait.ge [sflag:s29], $0x1  }
0xbe: {  	[sflag:s29] =	ssyncadd.s32 $0xFFFFFFFF  }
0xbf: {  	_ =	strace $0x90000048  }
0xc0: {  	_ =	sfence  }
0xc1: {  	s30 =	sld [smem:$0x0];
	_ =	sdelay $0x2  }
0xc2: {  	s31 =	sshll.u32 s1, $0xD;
	s1 =	sshrl.u32 s1, $0x2  }
0xc3: {  	s3 =	sand.u32 $0x4000, s31;
	s1 =	sadd.s32 s1, s30  }
0xc4: {  	s0 =	sor.u32 s3, s0;
	s1 =	sshll.u32 s1, $0x11  }
0xc5: {  	s0 =	sor.u32 s1, s0  }
0xc6: {  	s0 =	sadd.s32 $0x8F2B, s0  }
0xc7: {  	[sflag:s0] =	ssyncadd.remote.s32 $0x1  }
0xc8: {  	_ =	sfence.sel $0xFFFF  }
0xc9: {  	[dreg:$0x0] =	wrdreg $0xFFFFFFFF;
	(pc) =	sbr.abs _section_cstart, $3  }
0xca: {  	[dreg:$0x1] =	wrdreg $0xFFFFFFFF  }
0xcb: {  	_ =	task.clear_ibuf [dreg:s10], $0x2FFFF;
	_ =	strace $0x9FFFFFFF  }
0xcc: {  	(tm) =	ssettm $0x7FFFFFFF  }
0xcd: {  	_ =	shalt  }
tec
execute0_lowered:
.L_overlay_start_1:
0x0: {  	(tag) =	ssettag $0x1  }
0x1: {  	s0 =	rddreg [dreg:$0x0]  }
0x2: {  	s1 =	rddreg [dreg:$0x1]  }
0x3: {  	s2 =	rddreg [dreg:$0x2]  }
0x4: {  	s4 =	rddreg [dreg:$0x3]  }
0x5: {  	s5 =	rddreg [dreg:$0x4];
	s18 =	simm.s32 $0x0;
	s3 =	srdreg.scid  }
0x6: {  	s6 =	stileid.u32;
	s11 =	simm.s32 $0x80;
	s17 =	simm.s32 $0x1  }
0x7: {  	s28 =	simm.s32 $0xCE00;
	s29 =	simm.s32 $0xD600;
	s30 =	simm.s32 $0xDE00  }
0x8: {  	s31 =	simm.s32 $0xE600;
	s12 =	simm.s32 $0x10600;
	s13 =	simm.s32 $0x10E00  }
0x9: {  	s14 =	simm.s32 $0x11600;
	s15 =	simm.s32 $0x11E00;
	s16 =	simm.s32 $0x12600  }
0xa: {  	[smem:$0x7FF] =	sst s18;
	s3 =	sand.u32 $0x1, s3;
	s6 =	sshll.u32 s6, $0x1  }
0xb: {  	_ =	strace $0x80000047;
	s7 =	ssub.s32 $0x2, s3;
	s6 =	sor.u32 s3, s6  }
0xc: {  	s3 =	sadd.s32 $0xF42C00, s0;
	s8 =	sshrl.u32 s7, $0x1;
	s9 =	sshll.u32 s6, $0x6  }
0xd: {  	s10 =	smul.u32 $0xC80, s6;
	s24 =	sshll.u32 s6, $0xA;
	s25 =	sshll.u32 s6, $0x1  }
0xe: {  	s6 =	simm.s32 $0x13E00;
	s22 =	ssub.s32 s7, s8;
	s1 =	sadd.s32 s1, s9  }
0xf: {  	s26 =	sadd.s32 s5, s25;
	s9 =	simm.s32 $0x2;
	s25 =	simm.s32 $0xBE00  }
0x10: {  	s5 =	simm.s32 $0x13600;
	s7 =	simm.s32 $0x14600;
	[dreg:$0x6] =	wrdreg s1  }
0x11: {  	s8 =	simm.s32 $0x0;
	s23 =	sadd.s32 s2, s10;
	[dreg:$0x9] =	wrdreg s26  }
0x12: {  	s1 =	sadd.s32 s4, s24;
	s0 =	smax.u32 s22, $0x1;
	[dreg:$0x7] =	wrdreg s23  }
0x13: {  	s24 =	simm.s32 $0xB600;
	s26 =	simm.s32 $0xC600;
	[dreg:$0x8] =	wrdreg s1  }
0x14: {  	s10 =	simm.s32 $0xFE00;
	s4 =	simm.s32 $0x12E00;
	[dreg:$0xa] =	wrdreg s0  }
0x15: {  	s23 =	simm.s32 $0xAE00;
	s0 =	simm.s32 $0xEE00;
	s1 =	simm.s32 $0xF600  }
.LBB2_1:
0x16: {  	[dreg:$0xb] =	wrdreg s8  }
0x17: {  	s2 =	rddreg [dreg:$0x6]  }
0x18: {  	[tilespmem:s18], [sflag:$0x2] =	stream.linear.gather [hbm4b:s2+s18], $0x200, $0x38;
	[tilespmem:$0x14E10] =	vst v63  }
0x19: {  	_ =	swait.ge [sflag:s9], $0x200  }
0x1a: {  	[sflag:s9] =	ssyncset.done $0x0  }
0x1b: {  	s20 =	simm.s32 $0x2200;
	s19 =	rddreg [dreg:$0x7];
	[sflag:s9] =	ssyncadd.s32 $0xFFFFFE00  }
0x1c: {  	[tilespmem:s20], [sflag:$0x2] =	stream.linear.gather [hbm4b:s19+s18], $0x6400, $0x38;
	[tilespmem:$0x14E10] =	vst v63  }
0x1d: {  	_ =	swait.ge [sflag:s9], $0x6400  }
0x1e: {  	[sflag:s9] =	ssyncset.done $0x0  }
0x1f: {  	s2 =	simm.s32 $0x200;
	[sflag:s9] =	ssyncadd.s32 $0xFFFF9C00  }
0x20: {  	[tilespmem:s2], [sflag:$0x1] =	stream.indirect.gather [hbm4b:s3+s11], $0x10, s18, s11, $0xb8;
	[tilespmem:$0x14E10] =	vst v63  }
0x21: {  	s21 =	simm.s32 $0xA00  }
0x22: {  	[tilespmem:s21], [sflag:$0x1] =	stream.indirect.gather [hbm4b:s3+s11], $0x10, s11, s11, $0xb8;
	[tilespmem:$0x14E10] =	vst v63  }
0x23: {  	s22 =	simm.s32 $0x100;
	s19 =	simm.s32 $0x1200  }
0x24: {  	[tilespmem:s19], [sflag:$0x1] =	stream.indirect.gather [hbm4b:s3+s11], $0x10, s22, s11, $0xb8;
	[tilespmem:$0x14E10] =	vst v63  }
0x25: {  	s20 =	simm.s32 $0x180;
	s21 =	simm.s32 $0x1A00  }
0x26: {  	[tilespmem:s21], [sflag:$0x1] =	stream.indirect.gather [hbm4b:s3+s11], $0x10, s20, s11, $0xb8;
	[tilespmem:$0x14E10] =	vst v63  }
0x27: {  	_ =	swait.ge [sflag:s17], $0x800  }
0x28: {  	[sflag:s17] =	ssyncset.done $0x0  }
0x29: {  	[sflag:s17] =	ssyncadd.s32 $0xFFFFF800  }
0x2a: {  	_ =	swait.ge [sflag:s17], $0x800  }
0x2b: {  	[sflag:s17] =	ssyncset.done $0x0  }
0x2c: {  	[sflag:s17] =	ssyncadd.s32 $0xFFFFF800  }
0x2d: {  	_ =	swait.ge [sflag:s17], $0x800  }
0x2e: {  	[sflag:s17] =	ssyncset.done $0x0  }
0x2f: {  	[sflag:s17] =	ssyncadd.s32 $0xFFFFF800  }
0x30: {  	_ =	swait.ge [sflag:s17], $0x800  }
0x31: {  	[sflag:s17] =	ssyncset.done $0x0  }
0x32: {  	s22 =	rddreg [dreg:$0x8];
	[sflag:s17] =	ssyncadd.s32 $0xFFFFF800  }
0x33: {  	[hbm4b:s22+s18] =	stream.linear.scatter [tilespmem:s2], [sflag:$0x2], $0x2000, $0x38;
	[tilespmem:$0x14E10] =	vst v63  }
0x34: {  	_ =	swait.ge [sflag:s9], $0x2000  }
0x35: {  	[sflag:s9] =	ssyncset.done $0x0  }
0x36: {  	v0 =	vimm.f32 $0.0e+00;
	[sflag:s9] =	ssyncadd.s32 $0xFFFFE000;
	s9 =	simm.s32 $0x0  }
.LBB2_2:
0x37: {  	s8 =	smul.u32 $0x3200, s9;
	_ =	sdelay $0x1  }
0x38: {  	s8 =	sshra.s32 s8, $0x2  }
0x39: {  	s19 =	simm.s32 $0x8600;
	s18 =	sadd.s32 $0x2200, s8  }
0x3a: {  	[tilespmem:s19], [sflag:$0x1] =	stream.indirect.gather [hbm4b:s3+s11], $0x10, s18, s11, $0xb8;
	[tilespmem:$0x14E10] =	vst v63  }
0x3b: {  	s22 =	simm.s32 $0x8E00;
	s21 =	sadd.s32 $0x2280, s8  }
0x3c: {  	[tilespmem:s22], [sflag:$0x1] =	stream.indirect.gather [hbm4b:s3+s11], $0x10, s21, s11, $0xb8;
	[tilespmem:$0x14E10] =	vst v63  }
0x3d: {  	s20 =	simm.s32 $0x9600;
	s19 =	sadd.s32 $0x2300, s8  }
0x3e: {  	[tilespmem:s20], [sflag:$0x1] =	stream.indirect.gather [hbm4b:s3+s11], $0x10, s19, s11, $0xb8;
	[tilespmem:$0x14E10] =	vst v63  }
0x3f: {  	s21 =	sadd.s32 $0x2380, s8;
	s22 =	simm.s32 $0x9E00  }
0x40: {  	[tilespmem:s22], [sflag:$0x1] =	stream.indirect.gather [hbm4b:s3+s11], $0x10, s21, s11, $0xb8;
	[tilespmem:$0x14E10] =	vst v63  }
0x41: {  	s20 =	sadd.s32 $0x2400, s8;
	s21 =	simm.s32 $0xA600  }
0x42: {  	[tilespmem:s21], [sflag:$0x1] =	stream.indirect.gather [hbm4b:s3+s11], $0x10, s20, s11, $0xb8;
	[tilespmem:$0x14E10] =	vst v63  }
0x43: {  	s22 =	sadd.s32 $0x2480, s8  }
0x44: {  	[tilespmem:s23], [sflag:$0x1] =	stream.indirect.gather [hbm4b:s3+s11], $0x10, s22, s11, $0xb8;
	[tilespmem:$0x14E10] =	vst v63  }
0x45: {  	s19 =	sadd.s32 $0x2500, s8  }
0x46: {  	[tilespmem:s24], [sflag:$0x1] =	stream.indirect.gather [hbm4b:s3+s11], $0x10, s19, s11, $0xb8;
	[tilespmem:$0x14E10] =	vst v63  }
0x47: {  	s20 =	sadd.s32 $0x2580, s8  }
0x48: {  	[tilespmem:s25], [sflag:$0x1] =	stream.indirect.gather [hbm4b:s3+s11], $0x10, s20, s11, $0xb8;
	[tilespmem:$0x14E10] =	vst v63  }
0x49: {  	s21 =	sadd.s32 $0x2600, s8  }
0x4a: {  	[tilespmem:s26], [sflag:$0x1] =	stream.indirect.gather [hbm4b:s3+s11], $0x10, s21, s11, $0xb8;
	[tilespmem:$0x14E10] =	vst v63  }
0x4b: {  	s22 =	sadd.s32 $0x2680, s8  }
0x4c: {  	[tilespmem:s28], [sflag:$0x1] =	stream.indirect.gather [hbm4b:s3+s11], $0x10, s22, s11, $0xb8;
	[tilespmem:$0x14E10] =	vst v63  }
0x4d: {  	s19 =	sadd.s32 $0x2700, s8  }
0x4e: {  	[tilespmem:s29], [sflag:$0x1] =	stream.indirect.gather [hbm4b:s3+s11], $0x10, s19, s11, $0xb8;
	[tilespmem:$0x14E10] =	vst v63  }
0x4f: {  	s20 =	sadd.s32 $0x2780, s8  }
0x50: {  	[tilespmem:s30], [sflag:$0x1] =	stream.indirect.gather [hbm4b:s3+s11], $0x10, s20, s11, $0xb8;
	[tilespmem:$0x14E10] =	vst v63  }
0x51: {  	s21 =	sadd.s32 $0x2800, s8  }
0x52: {  	[tilespmem:s31], [sflag:$0x1] =	stream.indirect.gather [hbm4b:s3+s11], $0x10, s21, s11, $0xb8;
	[tilespmem:$0x14E10] =	vst v63  }
0x53: {  	s22 =	sadd.s32 $0x2880, s8  }
0x54: {  	[tilespmem:s0], [sflag:$0x1] =	stream.indirect.gather [hbm4b:s3+s11], $0x10, s22, s11, $0xb8;
	[tilespmem:$0x14E10] =	vst v63  }
0x55: {  	s19 =	sadd.s32 $0x2900, s8  }
0x56: {  	[tilespmem:s1], [sflag:$0x1] =	stream.indirect.gather [hbm4b:s3+s11], $0x10, s19, s11, $0xb8;
	[tilespmem:$0x14E10] =	vst v63  }
0x57: {  	s20 =	sadd.s32 $0x2980, s8  }
0x58: {  	[tilespmem:s10], [sflag:$0x1] =	stream.indirect.gather [hbm4b:s3+s11], $0x10, s20, s11, $0xb8;
	[tilespmem:$0x14E10] =	vst v63  }
0x59: {  	s21 =	sadd.s32 $0x2A00, s8  }
0x5a: {  	[tilespmem:s12], [sflag:$0x1] =	stream.indirect.gather [hbm4b:s3+s11], $0x10, s21, s11, $0xb8;
	[tilespmem:$0x14E10] =	vst v63  }
0x5b: {  	s22 =	sadd.s32 $0x2A80, s8  }
0x5c: {  	[tilespmem:s13], [sflag:$0x1] =	stream.indirect.gather [hbm4b:s3+s11], $0x10, s22, s11, $0xb8;
	[tilespmem:$0x14E10] =	vst v63  }
0x5d: {  	s19 =	sadd.s32 $0x2B00, s8  }
0x5e: {  	[tilespmem:s14], [sflag:$0x1] =	stream.indirect.gather [hbm4b:s3+s11], $0x10, s19, s11, $0xb8;
	[tilespmem:$0x14E10] =	vst v63  }
0x5f: {  	s20 =	sadd.s32 $0x2B80, s8  }
0x60: {  	[tilespmem:s15], [sflag:$0x1] =	stream.indirect.gather [hbm4b:s3+s11], $0x10, s20, s11, $0xb8;
	[tilespmem:$0x14E10] =	vst v63  }
0x61: {  	s21 =	sadd.s32 $0x2C00, s8  }
0x62: {  	[tilespmem:s16], [sflag:$0x1] =	stream.indirect.gather [hbm4b:s3+s11], $0x10, s21, s11, $0xb8;
	[tilespmem:$0x14E10] =	vst v63  }
0x63: {  	s22 =	sadd.s32 $0x2C80, s8  }
0x64: {  	[tilespmem:s4], [sflag:$0x1] =	stream.indirect.gather [hbm4b:s3+s11], $0x10, s22, s11, $0xb8;
	[tilespmem:$0x14E10] =	vst v63  }
0x65: {  	s19 =	sadd.s32 $0x2D00, s8  }
0x66: {  	[tilespmem:s5], [sflag:$0x1] =	stream.indirect.gather [hbm4b:s3+s11], $0x10, s19, s11, $0xb8;
	[tilespmem:$0x14E10] =	vst v63  }
0x67: {  	s20 =	sadd.s32 $0x2D80, s8  }
0x68: {  	[tilespmem:s6], [sflag:$0x1] =	stream.indirect.gather [hbm4b:s3+s11], $0x10, s20, s11, $0xb8;
	[tilespmem:$0x14E10] =	vst v63  }
0x69: {  	s8 =	sadd.s32 $0x2E00, s8  }
0x6a: {  	[tilespmem:s7], [sflag:$0x1] =	stream.indirect.gather [hbm4b:s3+s11], $0x10, s8, s11, $0xb8;
	[tilespmem:$0x14E10] =	vst v63  }
0x6b: {  	_ =	swait.ge [sflag:s17], $0x800  }
0x6c: {  	[sflag:s17] =	ssyncset.done $0x0  }
0x6d: {  	[sflag:s17] =	ssyncadd.s32 $0xFFFFF800  }
0x6e: {  	_ =	swait.ge [sflag:s17], $0x800  }
0x6f: {  	[sflag:s17] =	ssyncset.done $0x0  }
0x70: {  	[sflag:s17] =	ssyncadd.s32 $0xFFFFF800  }
0x71: {  	_ =	swait.ge [sflag:s17], $0x800  }
0x72: {  	[sflag:s17] =	ssyncset.done $0x0  }
0x73: {  	[sflag:s17] =	ssyncadd.s32 $0xFFFFF800  }
0x74: {  	_ =	swait.ge [sflag:s17], $0x800  }
0x75: {  	[sflag:s17] =	ssyncset.done $0x0  }
0x76: {  	[sflag:s17] =	ssyncadd.s32 $0xFFFFF800  }
0x77: {  	_ =	swait.ge [sflag:s17], $0x800  }
0x78: {  	[sflag:s17] =	ssyncset.done $0x0  }
0x79: {  	[sflag:s17] =	ssyncadd.s32 $0xFFFFF800  }
0x7a: {  	_ =	swait.ge [sflag:s17], $0x800  }
0x7b: {  	[sflag:s17] =	ssyncset.done $0x0  }
0x7c: {  	[sflag:s17] =	ssyncadd.s32 $0xFFFFF800  }
0x7d: {  	_ =	swait.ge [sflag:s17], $0x800  }
0x7e: {  	[sflag:s17] =	ssyncset.done $0x0  }
0x7f: {  	[sflag:s17] =	ssyncadd.s32 $0xFFFFF800  }
0x80: {  	_ =	swait.ge [sflag:s17], $0x800  }
0x81: {  	[sflag:s17] =	ssyncset.done $0x0  }
0x82: {  	[sflag:s17] =	ssyncadd.s32 $0xFFFFF800  }
0x83: {  	_ =	swait.ge [sflag:s17], $0x800  }
0x84: {  	[sflag:s17] =	ssyncset.done $0x0  }
0x85: {  	[sflag:s17] =	ssyncadd.s32 $0xFFFFF800  }
0x86: {  	_ =	swait.ge [sflag:s17], $0x800  }
0x87: {  	[sflag:s17] =	ssyncset.done $0x0  }
0x88: {  	[sflag:s17] =	ssyncadd.s32 $0xFFFFF800  }
0x89: {  	_ =	swait.ge [sflag:s17], $0x800  }
0x8a: {  	[sflag:s17] =	ssyncset.done $0x0  }
0x8b: {  	[sflag:s17] =	ssyncadd.s32 $0xFFFFF800  }
0x8c: {  	_ =	swait.ge [sflag:s17], $0x800  }
0x8d: {  	[sflag:s17] =	ssyncset.done $0x0  }
0x8e: {  	[sflag:s17] =	ssyncadd.s32 $0xFFFFF800  }
0x8f: {  	_ =	swait.ge [sflag:s17], $0x800  }
0x90: {  	[sflag:s17] =	ssyncset.done $0x0  }
0x91: {  	[sflag:s17] =	ssyncadd.s32 $0xFFFFF800  }
0x92: {  	_ =	swait.ge [sflag:s17], $0x800  }
0x93: {  	[sflag:s17] =	ssyncset.done $0x0  }
0x94: {  	[sflag:s17] =	ssyncadd.s32 $0xFFFFF800  }
0x95: {  	_ =	swait.ge [sflag:s17], $0x800  }
0x96: {  	[sflag:s17] =	ssyncset.done $0x0  }
0x97: {  	[sflag:s17] =	ssyncadd.s32 $0xFFFFF800  }
0x98: {  	_ =	swait.ge [sflag:s17], $0x800  }
0x99: {  	[sflag:s17] =	ssyncset.done $0x0  }
0x9a: {  	[sflag:s17] =	ssyncadd.s32 $0xFFFFF800  }
0x9b: {  	_ =	swait.ge [sflag:s17], $0x800  }
0x9c: {  	[sflag:s17] =	ssyncset.done $0x0  }
0x9d: {  	[sflag:s17] =	ssyncadd.s32 $0xFFFFF800  }
0x9e: {  	_ =	swait.ge [sflag:s17], $0x800  }
0x9f: {  	[sflag:s17] =	ssyncset.done $0x0  }
0xa0: {  	[sflag:s17] =	ssyncadd.s32 $0xFFFFF800  }
0xa1: {  	_ =	swait.ge [sflag:s17], $0x800  }
0xa2: {  	[sflag:s17] =	ssyncset.done $0x0  }
0xa3: {  	[sflag:s17] =	ssyncadd.s32 $0xFFFFF800  }
0xa4: {  	_ =	swait.ge [sflag:s17], $0x800  }
0xa5: {  	[sflag:s17] =	ssyncset.done $0x0  }
0xa6: {  	[sflag:s17] =	ssyncadd.s32 $0xFFFFF800  }
0xa7: {  	_ =	swait.ge [sflag:s17], $0x800  }
0xa8: {  	[sflag:s17] =	ssyncset.done $0x0  }
0xa9: {  	[sflag:s17] =	ssyncadd.s32 $0xFFFFF800  }
0xaa: {  	_ =	swait.ge [sflag:s17], $0x800  }
0xab: {  	[sflag:s17] =	ssyncset.done $0x0  }
0xac: {  	[sflag:s17] =	ssyncadd.s32 $0xFFFFF800  }
0xad: {  	_ =	swait.ge [sflag:s17], $0x800  }
0xae: {  	[sflag:s17] =	ssyncset.done $0x0  }
0xaf: {  	[sflag:s17] =	ssyncadd.s32 $0xFFFFF800  }
0xb0: {  	_ =	swait.ge [sflag:s17], $0x800  }
0xb1: {  	[sflag:s17] =	ssyncset.done $0x0  }
0xb2: {  	[sflag:s17] =	ssyncadd.s32 $0xFFFFF800  }
0xb3: {  	_ =	swait.ge [sflag:s17], $0x800  }
0xb4: {  	[sflag:s17] =	ssyncset.done $0x0  }
0xb5: {  	s21 =	simm.s32 $0x8790;
	[sflag:s17] =	ssyncadd.s32 $0xFFFFF800  }
0xb6: {  	v1 =	vld [tilespmem:s21+$0xFFFFFE70]  }
0xb7: {  	v2 =	vld [tilespmem:s21+$0xFFFFFE80];
	_ =	sdelay $0x1  }
0xb8: {  	v3 =	vld [tilespmem:s21+$0xFFFFFE90];
	_ =	sdelay $0x1  }
0xb9: {  	v4 =	vld [tilespmem:s21+$0xFFFFFEA0]  }
0xba: {  	v1 =	vadd.f32 v2, v1  }
0xbb: {  	v2 =	vld [tilespmem:s21+$0xFFFFFEB0]  }
0xbc: {  	v1 =	vadd.f32 v3, v1  }
0xbd: {  	v3 =	vld [tilespmem:s21+$0xFFFFFEC0]  }
0xbe: {  	v1 =	vadd.f32 v4, v1  }
0xbf: {  	v4 =	vld [tilespmem:s21+$0xFFFFFED0]  }
0xc0: {  	v1 =	vadd.f32 v2, v1  }
0xc1: {  	v2 =	vld [tilespmem:s21+$0xFFFFFEE0]  }
0xc2: {  	v1 =	vadd.f32 v3, v1  }
0xc3: {  	v3 =	vld [tilespmem:s21+$0xFFFFFEF0]  }
0xc4: {  	v1 =	vadd.f32 v4, v1  }
0xc5: {  	v4 =	vld [tilespmem:s21+$0xFFFFFF00]  }
0xc6: {  	v1 =	vadd.f32 v2, v1  }
0xc7: {  	v2 =	vld [tilespmem:s21+$0xFFFFFF10]  }
0xc8: {  	v1 =	vadd.f32 v3, v1  }
0xc9: {  	v3 =	vld [tilespmem:s21+$0xFFFFFF20]  }
0xca: {  	v1 =	vadd.f32 v4, v1  }
0xcb: {  	v4 =	vld [tilespmem:s21+$0xFFFFFF30]  }
0xcc: {  	v1 =	vadd.f32 v2, v1  }
0xcd: {  	v2 =	vld [tilespmem:s21+$0xFFFFFF40]  }
0xce: {  	v1 =	vadd.f32 v3, v1  }
0xcf: {  	v3 =	vld [tilespmem:s21+$0xFFFFFF50]  }
0xd0: {  	v1 =	vadd.f32 v4, v1  }
0xd1: {  	v4 =	vld [tilespmem:s21+$0xFFFFFF60]  }
0xd2: {  	v1 =	vadd.f32 v2, v1  }
0xd3: {  	v2 =	vld [tilespmem:s21+$0xFFFFFF70]  }
0xd4: {  	v1 =	vadd.f32 v3, v1  }
0xd5: {  	v3 =	vld [tilespmem:s21+$0xFFFFFF80]  }
0xd6: {  	v1 =	vadd.f32 v4, v1  }
0xd7: {  	v4 =	vld [tilespmem:s21+$0xFFFFFF90]  }
0xd8: {  	v1 =	vadd.f32 v2, v1  }
0xd9: {  	v2 =	vld [tilespmem:s21+$0xFFFFFFA0]  }
0xda: {  	v1 =	vadd.f32 v3, v1  }
0xdb: {  	v3 =	vld [tilespmem:s21+$0xFFFFFFB0]  }
0xdc: {  	v1 =	vadd.f32 v4, v1  }
0xdd: {  	v4 =	vld [tilespmem:s21+$0xFFFFFFC0]  }
0xde: {  	v1 =	vadd.f32 v2, v1  }
0xdf: {  	v2 =	vld [tilespmem:s21+$0xFFFFFFD0]  }
0xe0: {  	v1 =	vadd.f32 v3, v1  }
0xe1: {  	v3 =	vld [tilespmem:s21+$0xFFFFFFE0]  }
0xe2: {  	v1 =	vadd.f32 v4, v1  }
0xe3: {  	v4 =	vld [tilespmem:s21+$0xFFFFFFF0]  }
0xe4: {  	v7 =	vld [tilespmem:s21+$0x180];
	v1 =	vadd.f32 v2, v1  }
0xe5: {  	v2 =	vld [tilespmem:s21+$0x0]  }
0xe6: {  	s8 =	simm.s32 $0x8AB0;
	v5 =	vld [tilespmem:s21+$0x10];
	v1 =	vadd.f32 v3, v1  }
0xe7: {  	v6 =	vld [tilespmem:s8+$0xFFFFFE80]  }
0xe8: {  	v3 =	vld [tilespmem:s8+$0xFFFFFE70];
	v1 =	vadd.f32 v4, v1  }
0xe9: {  	v4 =	vld [tilespmem:s21+$0x20]  }
0xea: {  	v8 =	vld [tilespmem:s8+$0xFFFFFE90];
	v1 =	vadd.f32 v2, v1  }
0xeb: {  	v2 =	vld [tilespmem:s21+$0x30]  }
0xec: {  	v9 =	vld [tilespmem:s8+$0xFFFFFEA0];
	v1 =	vadd.f32 v5, v1  }
0xed: {  	v3 =	vadd.f32 v6, v3;
	v5 =	vld [tilespmem:s21+$0x40]  }
0xee: {  	v6 =	vld [tilespmem:s8+$0xFFFFFEB0];
	v1 =	vadd.f32 v4, v1  }
0xef: {  	v3 =	vadd.f32 v8, v3;
	v4 =	vld [tilespmem:s21+$0x50]  }
0xf0: {  	v8 =	vld [tilespmem:s8+$0xFFFFFEC0];
	v1 =	vadd.f32 v2, v1  }
0xf1: {  	v2 =	vadd.f32 v9, v3;
	v3 =	vld [tilespmem:s21+$0x60]  }
0xf2: {  	v9 =	vld [tilespmem:s8+$0xFFFFFED0];
	v1 =	vadd.f32 v5, v1  }
0xf3: {  	v2 =	vadd.f32 v6, v2;
	v5 =	vld [tilespmem:s21+$0x70]  }
0xf4: {  	v6 =	vld [tilespmem:s8+$0xFFFFFEE0];
	v1 =	vadd.f32 v4, v1  }
0xf5: {  	v2 =	vadd.f32 v8, v2;
	v4 =	vld [tilespmem:s21+$0x80]  }
0xf6: {  	v8 =	vld [tilespmem:s8+$0xFFFFFEF0];
	v1 =	vadd.f32 v3, v1  }
0xf7: {  	v2 =	vadd.f32 v9, v2;
	v3 =	vld [tilespmem:s21+$0x90]  }
0xf8: {  	v9 =	vld [tilespmem:s8+$0xFFFFFF00];
	v1 =	vadd.f32 v5, v1  }
0xf9: {  	v2 =	vadd.f32 v6, v2;
	v5 =	vld [tilespmem:s21+$0xA0]  }
0xfa: {  	v6 =	vld [tilespmem:s8+$0xFFFFFF10];
	v1 =	vadd.f32 v4, v1  }
0xfb: {  	v2 =	vadd.f32 v8, v2;
	v4 =	vld [tilespmem:s21+$0xB0]  }
0xfc: {  	v8 =	vld [tilespmem:s8+$0xFFFFFF20];
	v1 =	vadd.f32 v3, v1  }
0xfd: {  	v2 =	vadd.f32 v9, v2;
	v3 =	vld [tilespmem:s21+$0xC0]  }
0xfe: {  	v9 =	vld [tilespmem:s8+$0xFFFFFF30];
	v1 =	vadd.f32 v5, v1  }
0xff: {  	v2 =	vadd.f32 v6, v2;
	v5 =	vld [tilespmem:s21+$0xD0]  }
0x100: {  	v6 =	vld [tilespmem:s8+$0xFFFFFF40];
	v1 =	vadd.f32 v4, v1  }
0x101: {  	v2 =	vadd.f32 v8, v2;
	v4 =	vld [tilespmem:s21+$0xE0]  }
0x102: {  	v8 =	vld [tilespmem:s8+$0xFFFFFF50];
	v1 =	vadd.f32 v3, v1  }
0x103: {  	v2 =	vadd.f32 v9, v2;
	v3 =	vld [tilespmem:s21+$0xF0]  }
0x104: {  	v9 =	vld [tilespmem:s8+$0xFFFFFF60];
	v1 =	vadd.f32 v5, v1  }
0x105: {  	v2 =	vadd.f32 v6, v2;
	v5 =	vld [tilespmem:s21+$0x100]  }
0x106: {  	v6 =	vld [tilespmem:s8+$0xFFFFFF70];
	v1 =	vadd.f32 v4, v1  }
0x107: {  	v2 =	vadd.f32 v8, v2;
	v4 =	vld [tilespmem:s21+$0x110]  }
0x108: {  	v8 =	vld [tilespmem:s8+$0xFFFFFF80];
	v1 =	vadd.f32 v3, v1  }
0x109: {  	v2 =	vadd.f32 v9, v2;
	v3 =	vld [tilespmem:s21+$0x120]  }
0x10a: {  	v9 =	vld [tilespmem:s8+$0xFFFFFF90];
	v1 =	vadd.f32 v5, v1  }
0x10b: {  	v2 =	vadd.f32 v6, v2;
	v5 =	vld [tilespmem:s21+$0x130]  }
0x10c: {  	v6 =	vld [tilespmem:s8+$0xFFFFFFA0];
	v1 =	vadd.f32 v4, v1  }
0x10d: {  	v2 =	vadd.f32 v8, v2;
	v4 =	vld [tilespmem:s21+$0x140]  }
0x10e: {  	v8 =	vld [tilespmem:s8+$0xFFFFFFB0];
	v3 =	vadd.f32 v3, v1  }
0x10f: {  	v2 =	vadd.f32 v9, v2;
	v9 =	vld [tilespmem:s21+$0x150]  }
0x110: {  	v10 =	vld [tilespmem:s8+$0xFFFFFFC0];
	v1 =	vmov s2;
	v3 =	vadd.f32 v5, v3  }
0x111: {  	v2 =	vadd.f32 v6, v2;
	v5 =	vld [tilespmem:s21+$0x160]  }
0x112: {  	v6 =	vld [tilespmem:s8+$0xFFFFFFD0];
	v3 =	vadd.f32 v4, v3  }
0x113: {  	v2 =	vadd.f32 v8, v2;
	v4 =	vld [tilespmem:s21+$0x170]  }
0x114: {  	s22 =	simm.s32 $0x0;
	v8 =	vld [tilespmem:s8+$0xFFFFFFE0];
	v3 =	vadd.f32 v9, v3  }
0x115: {  	v9 =	vadd.f32 v10, v2;
	v2 =	vld.idx.msk [tilespmem:v1+s22+$0x0 ss:$0x1], $0xffff  }
0x116: {  	v10 =	vld [tilespmem:s8+$0xFFFFFFF0];
	v5 =	vadd.f32 v5, v3  }
0x117: {  	v9 =	vadd.f32 v6, v9;
	v3 =	vld [tilespmem:s8+$0x180]  }
0x118: {  	v6 =	vld [tilespmem:s8+$0x0];
	v4 =	vadd.f32 v4, v5  }
0x119: {  	s18 =	simm.s32 $0x8DD0;
	v11 =	vadd.f32 v8, v9;
	v5 =	vld [tilespmem:s8+$0x10]  }
0x11a: {  	v8 =	vld [tilespmem:s18+$0xFFFFFE70];
	v4 =	vadd.f32 v7, v4  }
0x11b: {  	s19 =	simm.s32 $0x80;
	s20 =	simm.s32 $0x40;
	s21 =	simm.s32 $0xC0;
	v9 =	vld [tilespmem:s18+$0xFFFFFE80];
	v7 =	vadd.f32 v10, v11  }
.LBB2_3:
0x11c: {  	p0 =	sne.s32 s21, $0xFC0;
	v10 =	vld [tilespmem:s8+$0x20];
	v2 =	vmul.f32 v4, v2;
	v4 =	vmov v3  }
0x11d: {  	v3 =	vld [tilespmem:s18+$0xFFFFFE90];
	v6 =	vadd.f32 v6, v7  }
0x11e: {  	v7 =	vld [tilespmem:s8+$0x30];
	v0 =	vadd.f32 v2, v0  }
0x11f: {  	v2 =	vld [tilespmem:s18+$0xFFFFFEA0];
	v5 =	vadd.f32 v5, v6  }
0x120: {  	v6 =	vadd.f32 v9, v8;
	v8 =	vld [tilespmem:s8+$0x40]  }
0x121: {  	v9 =	vld [tilespmem:s18+$0xFFFFFEB0];
	v5 =	vadd.f32 v10, v5  }
0x122: {  	v3 =	vadd.f32 v3, v6;
	v6 =	vld [tilespmem:s8+$0x50]  }
0x123: {  	v10 =	vld [tilespmem:s18+$0xFFFFFEC0];
	v5 =	vadd.f32 v7, v5  }
0x124: {  	v2 =	vadd.f32 v2, v3;
	v3 =	vld [tilespmem:s8+$0x60]  }
0x125: {  	v7 =	vld [tilespmem:s18+$0xFFFFFED0];
	v5 =	vadd.f32 v8, v5  }
0x126: {  	v2 =	vadd.f32 v9, v2;
	v8 =	vld [tilespmem:s8+$0x70]  }
0x127: {  	v9 =	vld [tilespmem:s18+$0xFFFFFEE0];
	v5 =	vadd.f32 v6, v5  }
0x128: {  	v2 =	vadd.f32 v10, v2;
	v6 =	vld [tilespmem:s8+$0x80]  }
0x129: {  	v10 =	vld [tilespmem:s18+$0xFFFFFEF0];
	v3 =	vadd.f32 v3, v5  }
0x12a: {  	v2 =	vadd.f32 v7, v2;
	v5 =	vld [tilespmem:s8+$0x90]  }
0x12b: {  	v7 =	vld [tilespmem:s18+$0xFFFFFF00];
	v3 =	vadd.f32 v8, v3  }
0x12c: {  	v2 =	vadd.f32 v9, v2;
	v8 =	vld [tilespmem:s8+$0xA0]  }
0x12d: {  	v9 =	vld [tilespmem:s18+$0xFFFFFF10];
	v3 =	vadd.f32 v6, v3  }
0x12e: {  	v2 =	vadd.f32 v10, v2;
	v6 =	vld [tilespmem:s8+$0xB0]  }
0x12f: {  	v10 =	vld [tilespmem:s18+$0xFFFFFF20];
	v3 =	vadd.f32 v5, v3  }
0x130: {  	v2 =	vadd.f32 v7, v2;
	v5 =	vld [tilespmem:s8+$0xC0]  }
0x131: {  	v7 =	vld [tilespmem:s18+$0xFFFFFF30];
	v3 =	vadd.f32 v8, v3  }
0x132: {  	v2 =	vadd.f32 v9, v2;
	v8 =	vld [tilespmem:s8+$0xD0]  }
0x133: {  	v9 =	vld [tilespmem:s18+$0xFFFFFF40];
	v3 =	vadd.f32 v6, v3  }
0x134: {  	v2 =	vadd.f32 v10, v2;
	v6 =	vld [tilespmem:s8+$0xE0]  }
0x135: {  	v10 =	vld [tilespmem:s18+$0xFFFFFF50];
	v3 =	vadd.f32 v5, v3  }
0x136: {  	v2 =	vadd.f32 v7, v2;
	v5 =	vld [tilespmem:s8+$0xF0]  }
0x137: {  	v7 =	vld [tilespmem:s18+$0xFFFFFF60];
	v3 =	vadd.f32 v8, v3  }
0x138: {  	v2 =	vadd.f32 v9, v2;
	v8 =	vld [tilespmem:s8+$0x100]  }
0x139: {  	v9 =	vld [tilespmem:s18+$0xFFFFFF70];
	v3 =	vadd.f32 v6, v3  }
0x13a: {  	v2 =	vadd.f32 v10, v2;
	v6 =	vld [tilespmem:s8+$0x110]  }
0x13b: {  	v10 =	vld [tilespmem:s18+$0xFFFFFF80];
	v3 =	vadd.f32 v5, v3  }
0x13c: {  	v2 =	vadd.f32 v7, v2;
	v5 =	vld [tilespmem:s8+$0x120]  }
0x13d: {  	v7 =	vld [tilespmem:s18+$0xFFFFFF90];
	v3 =	vadd.f32 v8, v3  }
0x13e: {  	v2 =	vadd.f32 v9, v2;
	v8 =	vld [tilespmem:s8+$0x130]  }
0x13f: {  	v9 =	vld [tilespmem:s18+$0xFFFFFFA0];
	v3 =	vadd.f32 v6, v3  }
0x140: {  	v2 =	vadd.f32 v10, v2;
	v6 =	vld [tilespmem:s8+$0x140]  }
0x141: {  	v10 =	vld [tilespmem:s18+$0xFFFFFFB0];
	v3 =	vadd.f32 v5, v3  }
0x142: {  	v2 =	vadd.f32 v7, v2;
	v5 =	vld [tilespmem:s8+$0x150]  }
0x143: {  	v7 =	vld [tilespmem:s18+$0xFFFFFFC0];
	v3 =	vadd.f32 v8, v3  }
0x144: {  	v2 =	vadd.f32 v9, v2;
	v8 =	vld [tilespmem:s8+$0x160]  }
0x145: {  	v9 =	vld [tilespmem:s18+$0xFFFFFFD0];
	v3 =	vadd.f32 v6, v3  }
0x146: {  	v2 =	vadd.f32 v10, v2;
	v10 =	vld [tilespmem:s8+$0x170];
	s8 =	smov.u32 s18  }
0x147: {  	s22 =	sshra.s32 s20, $0x2;
	s20 =	smov.u32 s19;
	s19 =	smov.u32 s21;
	v11 =	vld [tilespmem:s18+$0xFFFFFFE0];
	v3 =	vadd.f32 v5, v3  }
0x148: {  	v5 =	vadd.f32 v7, v2;
	v2 =	vld.idx.msk [tilespmem:v1+s22+$0x0 ss:$0x1], $0xffff  }
0x149: {  	v7 =	vld [tilespmem:s18+$0xFFFFFFF0];
	v8 =	vadd.f32 v8, v3  }
.Ltmp0:
0x14a: {  	v5 =	vadd.f32 v9, v5;
	v3 =	vld [tilespmem:s18+$0x180];
	(pc) =	sbr.rel @p0 .LBB2_3-.Ltmp0, $4  }
0x14b: {  	v6 =	vld [tilespmem:s18+$0x0];
	v9 =	vadd.f32 v10, v8  }
0x14c: {  	s18 =	sadd.s32 $0x320, s18;
	v10 =	vadd.f32 v11, v5;
	v5 =	vld [tilespmem:s8+$0x10]  }
0x14d: {  	v8 =	vld [tilespmem:s18+$0xFFFFFE70];
	v4 =	vadd.f32 v4, v9  }
0x14e: {  	s21 =	sadd.s32 $0x40, s21;
	v9 =	vld [tilespmem:s18+$0xFFFFFE80];
	v7 =	vadd.f32 v7, v10  }
0x14f: {  	_ = 	snop  }
0x150: {  	v10 =	vld [tilespmem:s18+$0xFFFFFE90];
	_ =	sdelay $0x1  }
0x151: {  	v11 =	vld [tilespmem:s18+$0xFFFFFEA0]  }
0x152: {  	v8 =	vadd.f32 v9, v8  }
0x153: {  	v42 =	vld [tilespmem:s18+$0xFFFFFEB0]  }
0x154: {  	v8 =	vadd.f32 v10, v8  }
0x155: {  	v43 =	vld [tilespmem:s18+$0xFFFFFEC0]  }
0x156: {  	v8 =	vadd.f32 v11, v8  }
0x157: {  	v44 =	vld [tilespmem:s18+$0xFFFFFED0]  }
0x158: {  	v8 =	vadd.f32 v42, v8  }
0x159: {  	v45 =	vld [tilespmem:s18+$0xFFFFFEE0]  }
0x15a: {  	v8 =	vadd.f32 v43, v8  }
0x15b: {  	v46 =	vld [tilespmem:s18+$0xFFFFFEF0]  }
0x15c: {  	v8 =	vadd.f32 v44, v8  }
0x15d: {  	v47 =	vld [tilespmem:s18+$0xFFFFFF00]  }
0x15e: {  	v8 =	vadd.f32 v45, v8  }
0x15f: {  	v48 =	vld [tilespmem:s18+$0xFFFFFF10]  }
0x160: {  	v8 =	vadd.f32 v46, v8  }
0x161: {  	v49 =	vld [tilespmem:s18+$0xFFFFFF20]  }
0x162: {  	v8 =	vadd.f32 v47, v8  }
0x163: {  	v50 =	vld [tilespmem:s18+$0xFFFFFF30]  }
0x164: {  	v8 =	vadd.f32 v48, v8  }
0x165: {  	v51 =	vld [tilespmem:s18+$0xFFFFFF40]  }
0x166: {  	v8 =	vadd.f32 v49, v8  }
0x167: {  	v52 =	vld [tilespmem:s18+$0xFFFFFF50]  }
0x168: {  	v8 =	vadd.f32 v50, v8  }
0x169: {  	v53 =	vld [tilespmem:s18+$0xFFFFFF60]  }
0x16a: {  	v8 =	vadd.f32 v51, v8  }
0x16b: {  	v54 =	vld [tilespmem:s18+$0xFFFFFF70]  }
0x16c: {  	v8 =	vadd.f32 v52, v8  }
0x16d: {  	v55 =	vld [tilespmem:s18+$0xFFFFFF80]  }
0x16e: {  	v8 =	vadd.f32 v53, v8  }
0x16f: {  	v56 =	vld [tilespmem:s18+$0xFFFFFF90]  }
0x170: {  	v8 =	vadd.f32 v54, v8  }
0x171: {  	v57 =	vld [tilespmem:s18+$0xFFFFFFA0]  }
0x172: {  	v8 =	vadd.f32 v55, v8  }
0x173: {  	v58 =	vld [tilespmem:s18+$0xFFFFFFB0]  }
0x174: {  	v8 =	vadd.f32 v56, v8  }
0x175: {  	v59 =	vld [tilespmem:s18+$0xFFFFFFC0]  }
0x176: {  	v8 =	vadd.f32 v57, v8  }
0x177: {  	v60 =	vld [tilespmem:s18+$0xFFFFFFD0]  }
0x178: {  	v8 =	vadd.f32 v58, v8  }
0x179: {  	v61 =	vld [tilespmem:s18+$0xFFFFFFE0]  }
0x17a: {  	v8 =	vadd.f32 v59, v8  }
0x17b: {  	v62 =	vld [tilespmem:s18+$0xFFFFFFF0]  }
0x17c: {  	v8 =	vadd.f32 v60, v8  }
0x17d: {  	v63 =	vld [tilespmem:s18+$0x0]  }
0x17e: {  	v12 =	vld [tilespmem:s8+$0x20];
	v8 =	vadd.f32 v61, v8  }
0x17f: {  	v16 =	vld [tilespmem:s18+$0x10]  }
0x180: {  	v17 =	vld [tilespmem:s8+$0x30];
	v6 =	vadd.f32 v6, v7;
	v8 =	vadd.f32 v62, v8  }
0x181: {  	v18 =	vld [tilespmem:s18+$0x20]  }
0x182: {  	v19 =	vld [tilespmem:s8+$0x40];
	v5 =	vadd.f32 v5, v6;
	v8 =	vadd.f32 v63, v8  }
0x183: {  	v20 =	vld [tilespmem:s18+$0x30]  }
0x184: {  	v21 =	vld [tilespmem:s8+$0x50];
	v5 =	vadd.f32 v12, v5;
	v8 =	vadd.f32 v16, v8  }
0x185: {  	v22 =	vld [tilespmem:s18+$0x40]  }
0x186: {  	v23 =	vld [tilespmem:s8+$0x60];
	v5 =	vadd.f32 v17, v5;
	v8 =	vadd.f32 v18, v8  }
0x187: {  	v24 =	vld [tilespmem:s18+$0x50]  }
0x188: {  	v25 =	vld [tilespmem:s8+$0x70];
	v5 =	vadd.f32 v19, v5;
	v8 =	vadd.f32 v20, v8  }
0x189: {  	v26 =	vld [tilespmem:s18+$0x60]  }
0x18a: {  	v27 =	vld [tilespmem:s8+$0x80];
	v5 =	vadd.f32 v21, v5;
	v8 =	vadd.f32 v22, v8  }
0x18b: {  	v28 =	vld [tilespmem:s18+$0x70]  }
0x18c: {  	v29 =	vld [tilespmem:s8+$0x90];
	v5 =	vadd.f32 v23, v5;
	v8 =	vadd.f32 v24, v8  }
0x18d: {  	v30 =	vld [tilespmem:s18+$0x80]  }
0x18e: {  	v31 =	vld [tilespmem:s8+$0xA0];
	v5 =	vadd.f32 v25, v5;
	v8 =	vadd.f32 v26, v8  }
0x18f: {  	v32 =	vld [tilespmem:s18+$0x90]  }
0x190: {  	v33 =	vld [tilespmem:s8+$0xB0];
	v5 =	vadd.f32 v27, v5;
	v8 =	vadd.f32 v28, v8  }
0x191: {  	v34 =	vld [tilespmem:s18+$0xA0]  }
0x192: {  	v35 =	vld [tilespmem:s8+$0xC0];
	v5 =	vadd.f32 v29, v5;
	v8 =	vadd.f32 v30, v8  }
0x193: {  	v36 =	vld [tilespmem:s18+$0xB0]  }
0x194: {  	v37 =	vld [tilespmem:s8+$0xD0];
	v5 =	vadd.f32 v31, v5;
	v8 =	vadd.f32 v32, v8  }
0x195: {  	v38 =	vld [tilespmem:s18+$0xC0]  }
0x196: {  	v39 =	vld [tilespmem:s8+$0xE0];
	v5 =	vadd.f32 v33, v5;
	v8 =	vadd.f32 v34, v8  }
0x197: {  	v40 =	vld [tilespmem:s18+$0xD0]  }
0x198: {  	v41 =	vld [tilespmem:s8+$0xF0];
	v5 =	vadd.f32 v35, v5;
	v8 =	vadd.f32 v36, v8  }
0x199: {  	v42 =	vld [tilespmem:s18+$0xE0]  }
0x19a: {  	v43 =	vld [tilespmem:s8+$0x100];
	v5 =	vadd.f32 v37, v5;
	v8 =	vadd.f32 v38, v8  }
0x19b: {  	v44 =	vld [tilespmem:s18+$0xF0]  }
0x19c: {  	v45 =	vld [tilespmem:s8+$0x110];
	v5 =	vadd.f32 v39, v5;
	v8 =	vadd.f32 v40, v8  }
0x19d: {  	v46 =	vld [tilespmem:s18+$0x100]  }
0x19e: {  	v47 =	vld [tilespmem:s8+$0x120];
	v5 =	vadd.f32 v41, v5;
	v8 =	vadd.f32 v42, v8  }
0x19f: {  	v48 =	vld [tilespmem:s18+$0x110]  }
0x1a0: {  	v49 =	vld [tilespmem:s8+$0x130];
	v5 =	vadd.f32 v43, v5;
	v8 =	vadd.f32 v44, v8  }
0x1a1: {  	v50 =	vld [tilespmem:s18+$0x120]  }
0x1a2: {  	v51 =	vld [tilespmem:s8+$0x140];
	v5 =	vadd.f32 v45, v5;
	v8 =	vadd.f32 v46, v8  }
0x1a3: {  	v52 =	vld [tilespmem:s18+$0x130]  }
0x1a4: {  	v53 =	vld [tilespmem:s8+$0x150];
	v5 =	vadd.f32 v47, v5;
	v8 =	vadd.f32 v48, v8  }
0x1a5: {  	v54 =	vld [tilespmem:s18+$0x140]  }
0x1a6: {  	v55 =	vld [tilespmem:s8+$0x160];
	v5 =	vadd.f32 v49, v5;
	v8 =	vadd.f32 v50, v8  }
0x1a7: {  	v56 =	vld [tilespmem:s18+$0x150]  }
0x1a8: {  	v57 =	vld [tilespmem:s8+$0x170];
	v5 =	vadd.f32 v51, v5;
	v8 =	vadd.f32 v52, v8  }
0x1a9: {  	v58 =	vld [tilespmem:s18+$0x160]  }
0x1aa: {  	v5 =	vadd.f32 v53, v5;
	v59 =	vadd.f32 v54, v8  }
0x1ab: {  	s21 =	sshra.s32 s20, $0x2;
	v60 =	vld [tilespmem:s18+$0x170]  }
0x1ac: {  	v5 =	vadd.f32 v55, v5;
	v61 =	vld.idx.msk [tilespmem:v1+s21+$0x0 ss:$0x1], $0xffff;
	v7 =	vadd.f32 v56, v59  }
0x1ad: {  	v62 =	vld [tilespmem:s18+$0x180]  }
0x1ae: {  	s22 =	sshra.s32 s19, $0x2;
	v5 =	vadd.f32 v57, v5;
	v7 =	vadd.f32 v58, v7  }
0x1af: {  	v1 =	vld.idx.msk [tilespmem:v1+s22+$0x0 ss:$0x1], $0xffff  }
0x1b0: {  	v2 =	vmul.f32 v4, v2;
	s9 =	sadd.s32 $0x1, s9;
	v3 =	vadd.f32 v3, v5;
	v63 =	vadd.f32 v60, v7  }
0x1b1: {  	p0 =	sne.s32 s9, $0x8  }
.Ltmp1:
0x1b2: {  	v0 =	vadd.f32 v2, v0;
	v2 =	vmul.f32 v3, v61;
	v3 =	vadd.f32 v62, v63;
	(pc) =	sbr.rel @p0 .LBB2_2-.Ltmp1, $3  }
0x1b3: {  	_ = 	snop  }
0x1b4: {  	v0 =	vadd.f32 v2, v0;
	v1 =	vmul.f32 v3, v1;
	_ =	sdelay $0x1  }
0x1b5: {  	s2 =	sadd.s32 $0x400, s2;
	v0 =	vadd.f32 v1, v0  }
0x1b6: {  	s18 =	simm.s32 $0x0  }
0x1b7: {  	s2 =	rddreg [dreg:$0x9];
	s8 =	simm.s32 $0x14E00;
	s9 =	simm.s32 $0x2;
	[tilespmem:$0x14E00] =	vst v0  }
0x1b8: {  	[hbm4b:s2+s18] =	stream.linear.scatter [tilespmem:s8], [sflag:$0x2], $0x10, $0x38;
	[tilespmem:$0x14E10] =	vst v63  }
0x1b9: {  	_ =	swait.ge [sflag:s9], $0x10  }
0x1ba: {  	s21 =	rddreg [dreg:$0xb]  }
0x1bb: {  	s22 =	rddreg [dreg:$0xa];
	s8 =	sadd.s32 $0x1, s21  }
0x1bc: {  	p0 =	sne.s32 s8, s22  }
.Ltmp2:
0x1bd: {  	_ = 	snop;
	(pc) =	sbr.rel @p0 .LBB2_1-.Ltmp2, $3  }
0x1be: {  	_ =	sdelay $0x1  }
0x1bf: {  	[sflag:s9] =	ssyncset.done $0x0  }
0x1c0: {  	[sflag:s9] =	ssyncadd.s32 $0xFFFFFFF0  }
0x1c1: {  	_ =	sfence.sel $0x180000  }
0x1c2: {  	[bflag:$0x0] =	sbarrier.arrive $0xFFFF  }
0x1c3: {  	_ =	strace $0x90000047  }
0x1c4: {  	s0 =	stileid.u32;
	[bflag:$0x2] =	sbarrier.arrive $0xFFFF  }
0x1c5: {  	p0 =	sne.s32 s0, $0x0;
	s0 =	rddreg [dreg:$0x5]  }
0x1c6: {  	s0 =	sadd.s32 @!p0 $0x100000, s0  }
0x1c7: {  	[sflag:s0] =	ssyncadd.tile.s32 @!p0 $0x1;
	_ =	shalt  }
.Lfunc_end2:
_tile_overlayer_lowered:
.L_overlay_start_2:
0x1c8: {  	(tag) =	ssettag $0x2  }
0x1c9: {  	s0 =	rddreg [dreg:$0x0];
	s2 =	stileid.u32  }
0x1ca: {  	s1 =	rddreg [dreg:$0x1];
	p0 =	sne.s32 s2, $0x0  }
0x1cb: {  	s3 =	rddreg [dreg:$0x2];
	[bflag:$0x3] =	sbarrier.arrive $0xFFFF;
	s2 =	simm.s32 @!p0 $0x1C02  }
0x1cc: {  	[timem:s3], [sflag:s2] =	dma.local @!p0 [hbm:s0], s1  }
0x1cd: {  	s0 =	simm.s32 @!p0 $0x2  }
0x1ce: {  	_ =	swait.ge @!p0 [sflag:s0], s1  }
0x1cf: {  	s1 =	ssub.s32 @!p0 $0x0, s1;
	[sflag:s0] =	ssyncset.done @!p0 $0x0  }
0x1d0: {  	[sflag:s0] =	ssyncadd.s32 @!p0 s1  }
0x1d1: {  	[bflag:$0x3] =	sbarrier.arrive $0xFFFF  }
0x1d2: {  	_ =	shalt  }

</sc_bundles>
